<compile_context>
chip_gen: v7x
topology: tpu7x:2x2x1
jax: 0.10.2.dev20260603
libtpu: 0.0.44.dev20260713+nightly
codegen_flags: <defaults>
</compile_context>

<pallas_src>
import functools

import jax
import jax.numpy as jnp
from jax import lax
from jax.experimental import pallas as pl
from jax.experimental.pallas import tpu as pltpu
from jax.experimental.pallas import tpu_sc as plsc

BATCH = 4
SEQ = 8192
D_MODEL = 1024
N_IDX = BATCH * SEQ

_info = plsc.get_sparse_core_info()
_NC, _NS = _info.num_cores, _info.num_subcores
_NW = _NC * _NS
_B_PER_W = N_IDX // _NW
_W_PER_ROW = SEQ // _B_PER_W
_CHUNK = 32
_N_CHUNKS = _B_PER_W // _CHUNK
_NBUF = 3
_LOOKAHEAD = 2


@functools.partial(
    pl.kernel,
    mesh=plsc.VectorSubcoreMesh(core_axis_name="c", subcore_axis_name="s"),
    out_type=jax.ShapeDtypeStruct((BATCH, SEQ, D_MODEL), jnp.float32),
    scratch_types=[
        pltpu.VMEM((_B_PER_W,), jnp.int32),
        pltpu.VMEM((_NBUF, _CHUNK, D_MODEL), jnp.float32),
        pltpu.SemaphoreType.DMA,
        pltpu.SemaphoreType.DMA,
    ],
)
def _gather_rows(pe_hbm, idx_hbm, out_hbm, idx_v, rows_v, gsem, osem):
    wid = lax.axis_index("s") * _NC + lax.axis_index("c")
    row = wid // _W_PER_ROW
    col = (wid % _W_PER_ROW) * _B_PER_W

    def gather(g, buf):
        return pltpu.make_async_copy(
            pe_hbm.at[idx_v.at[pl.ds(g * _CHUNK, _CHUNK)]], rows_v.at[buf], gsem
        )

    def out_copy(g, buf):
        return pltpu.make_async_copy(
            rows_v.at[buf], out_hbm.at[row, pl.ds(col + g * _CHUNK, _CHUNK)], osem
        )

    pltpu.sync_copy(idx_hbm.at[row, pl.ds(col, _B_PER_W)], idx_v)
    for j in range(_LOOKAHEAD):
        gather(j, j % _NBUF).start()

    def outer(i, carry):
        for b in range(_NBUF):
            g = i * _NBUF + b

            @pl.when(g < _N_CHUNKS)
            def _():
                nxt = (b + _LOOKAHEAD) % _NBUF

                @pl.when(g + _LOOKAHEAD < _N_CHUNKS)
                def _():
                    @pl.when(g + _LOOKAHEAD >= _NBUF)
                    def _():
                        out_copy(g + _LOOKAHEAD - _NBUF, nxt).wait()

                    gather(g + _LOOKAHEAD, nxt).start()

                gather(g, b).wait()
                out_copy(g, b).start()
        return carry

    lax.fori_loop(0, (_N_CHUNKS + _NBUF - 1) // _NBUF, outer, 0)
    for g in range(_N_CHUNKS - _NBUF, _N_CHUNKS):
        out_copy(g, g % _NBUF).wait()


def kernel(t, pe):
    if t.dtype != jnp.int32:
        t = t.astype(jnp.int32)
    return _gather_rows(pe, t)

# --- scband reference (transcript-rebuilt; emitter-appended) ---
"""Pipeline reference for scband-flexible-positional-encoding-29789893165124 (READ-ONLY COPY).

The authoritative reference and input builder live on the scoring server;
editing this copy changes nothing except your own understanding.
"""

import jax, jax.numpy as jnp
import numpy as np

MAX_SEQ_LEN = 8192
D_MODEL = 1024

def _create_pe_matrix(max_seq_len, d_model):
    i_seq = jnp.linspace(0.0, max_seq_len - 1, max_seq_len)
    j_seq = jnp.linspace(0.0, d_model - 2, d_model // 2)
    pos, two_i = jnp.meshgrid(i_seq, j_seq, indexing='ij')
    pe_2i = jnp.sin(pos / jnp.power(10000.0, two_i / d_model))
    pe_2i_1 = jnp.cos(pos / jnp.power(10000.0, two_i / d_model))
    return jnp.stack((pe_2i, pe_2i_1), axis=2).reshape(max_seq_len, d_model)

def setup_inputs(seed: int = 0) -> dict:
    key = jax.random.key(seed)
    t = jax.random.randint(key, (4, 8192), 0, MAX_SEQ_LEN, dtype=jnp.int64) if jax.config.jax_enable_x64 else jax.random.randint(key, (4, 8192), 0, MAX_SEQ_LEN, dtype=jnp.int32)
    pe = _create_pe_matrix(MAX_SEQ_LEN, D_MODEL).astype(jnp.float32)
    return {"t": t, "pe": pe}

def reference(t, pe):
    # int-dtype branch of FlexiblePositionalEncoding.forward: gather rows of pe
    return jnp.take(pe, t, axis=0)

if __name__ == "__main__":
    import jax
    _d = setup_inputs()
    print(jax.jit(kernel)(*tuple(_d.values())))

</pallas_src>

<mosaic_0001>
#map = affine_map<(d0, d1) -> (0, 0)>
#map1 = affine_map<(d0, d1) -> (0, 0, 0)>
module attributes {stable_mosaic.version = 14 : i64} {
  func.func @_gather_rows(%arg0: i32, %arg1: i32, %arg2: memref<8192x1024xf32, #tpu.memory_space<hbm>>, %arg3: memref<4x8192xi32, #tpu.memory_space<hbm>>, %arg4: memref<4x8192x1024xf32, #tpu.memory_space<hbm>>, %arg5: memref<1024xi32, #tpu.memory_space<vmem>>, %arg6: memref<3x32x1024xf32, #tpu.memory_space<vmem>>, %arg7: memref<!tpu.dma_semaphore, #tpu.memory_space<semaphore_mem>>, %arg8: memref<!tpu.dma_semaphore, #tpu.memory_space<semaphore_mem>>) attributes {dimension_semantics = [#tpu.dimension_semantics<core_parallel>, #tpu.dimension_semantics<subcore_parallel>], iteration_bounds = array<i64: 2, 16>, scalar_prefetch = 0 : i64, scratch_operands = 4 : i64, tpu.core_type = #tpu.core_type<sc_vector_subcore>, window_params = [{transform_indices = #map}, {transform_indices = #map}, {transform_indices = #map1}]} {
    %mul3A = arith.constant 2 : i32
    %mul3A_0 = arith.muli %arg1, %mul3A : i32
    %add3A = arith.addi %mul3A_0, %arg0 : i32
    %jit3A = arith.constant 8 : i32
    %div3A = arith.divsi %add3A, %jit3A : i32
    %sign3A = arith.constant 0 : i32
    %sign3A_1 = arith.cmpi sgt, %add3A, %sign3A : i32
    %sign3A_2 = arith.extui %sign3A_1 : i1 to i32
    %sign3A_3 = arith.constant 0 : i32
    %sign3A_4 = arith.cmpi slt, %add3A, %sign3A_3 : i32
    %sign3A_5 = arith.extui %sign3A_4 : i1 to i32
    %sign3A_6 = arith.subi %sign3A_2, %sign3A_5 : i32
    %sign3A_7 = arith.constant 0 : i32
    %sign3A_8 = arith.cmpi sgt, %jit3A, %sign3A_7 : i32
    %sign3A_9 = arith.extui %sign3A_8 : i1 to i32
    %sign3A_10 = arith.constant 0 : i32
    %sign3A_11 = arith.cmpi slt, %jit3A, %sign3A_10 : i32
    %sign3A_12 = arith.extui %sign3A_11 : i1 to i32
    %sign3A_13 = arith.subi %sign3A_9, %sign3A_12 : i32
    %ne3A = arith.cmpi ne, %sign3A_6, %sign3A_13 : i32
    %rem3A = arith.remsi %add3A, %jit3A : i32
    %ne3A_14 = arith.constant 0 : i32
    %ne3A_15 = arith.cmpi ne, %rem3A, %ne3A_14 : i32
    %and3A = arith.andi %ne3A, %ne3A_15 : i1
    %sub3A = arith.constant 1 : i32
    %sub3A_16 = arith.subi %div3A, %sub3A : i32
    %select_n3A = arith.select %and3A, %sub3A_16, %div3A : i32
    %jit3A_17 = arith.constant 8 : i32
    %eq3A = arith.constant 0 : i32
    %eq3A_18 = arith.cmpi eq, %jit3A_17, %eq3A : i32
    %jit3A_19 = arith.constant 1 : i32
    %select_n3A_20 = arith.select %eq3A_18, %jit3A_19, %jit3A_17 : i32
    %rem3A_21 = arith.remsi %add3A, %select_n3A_20 : i32
    %ne3A_22 = arith.constant 0 : i32
    %ne3A_23 = arith.cmpi ne, %rem3A_21, %ne3A_22 : i32
    %lt3A = arith.constant 0 : i32
    %lt3A_24 = arith.cmpi slt, %rem3A_21, %lt3A : i32
    %lt3A_25 = arith.constant 0 : i32
    %lt3A_26 = arith.cmpi slt, %select_n3A_20, %lt3A_25 : i32
    %ne3A_27 = arith.xori %lt3A_24, %lt3A_26 : i1
    %and3A_28 = arith.andi %ne3A_27, %ne3A_23 : i1
    %add3A_29 = arith.addi %rem3A_21, %select_n3A_20 : i32
    %select_n3A_30 = arith.select %and3A_28, %add3A_29, %rem3A_21 : i32
    %mul3A_31 = arith.constant 1024 : i32
    %mul3A_32 = arith.muli %select_n3A_30, %mul3A_31 : i32
    "tpu.region"() ({
      %run_scoped3A = tpu.sem_alloc : memref<!tpu.dma_semaphore, #tpu.memory_space<semaphore_mem>>
      %dma_start3A_107 = tpu.memref_slice %arg3[%select_n3A, %mul3A_32] : memref<4x8192xi32, #tpu.memory_space<hbm>> -> memref<1x1024xi32, #tpu.memory_space<hbm>>
      %dma_start3A_108 = tpu.memref_squeeze %dma_start3A_107 : memref<1x1024xi32, #tpu.memory_space<hbm>> -> memref<1024xi32, #tpu.memory_space<hbm>>
      %dma_start3A_109 = tpu.memref_slice %arg3[%select_n3A, %mul3A_32] : memref<4x8192xi32, #tpu.memory_space<hbm>> -> memref<1x1024xi32, #tpu.memory_space<hbm>>
      %dma_start3A_110 = tpu.memref_squeeze %dma_start3A_109 : memref<1x1024xi32, #tpu.memory_space<hbm>> -> memref<1024xi32, #tpu.memory_space<hbm>>
      tpu.enqueue_dma source(%dma_start3A_110 : memref<1024xi32, #tpu.memory_space<hbm>>) target(%arg5 : memref<1024xi32, #tpu.memory_space<vmem>>) target_semaphore(%run_scoped3A : memref<!tpu.dma_semaphore, #tpu.memory_space<semaphore_mem>>)
      %dma_wait3A_111 = tpu.memref_slice %arg3[%select_n3A, %mul3A_32] : memref<4x8192xi32, #tpu.memory_space<hbm>> -> memref<1x1024xi32, #tpu.memory_space<hbm>>
      %dma_wait3A_112 = tpu.memref_squeeze %dma_wait3A_111 : memref<1x1024xi32, #tpu.memory_space<hbm>> -> memref<1024xi32, #tpu.memory_space<hbm>>
      %dma_wait3A_113 = tpu.memref_slice %arg3[%select_n3A, %mul3A_32] : memref<4x8192xi32, #tpu.memory_space<hbm>> -> memref<1x1024xi32, #tpu.memory_space<hbm>>
      %dma_wait3A_114 = tpu.memref_squeeze %dma_wait3A_113 : memref<1x1024xi32, #tpu.memory_space<hbm>> -> memref<1024xi32, #tpu.memory_space<hbm>>
      tpu.wait_dma2 semaphore(%run_scoped3A : memref<!tpu.dma_semaphore, #tpu.memory_space<semaphore_mem>>) src(%dma_wait3A_114 : memref<1024xi32, #tpu.memory_space<hbm>>) dst(%arg5 : memref<1024xi32, #tpu.memory_space<vmem>>)
      tpu.yield
    }) : () -> ()
    %dma_start3A = arith.constant 0 : i32
    %dma_start3A_33 = arith.constant 0 : i32
    %dma_start3A_34 = arith.constant 0 : i32
    %dma_start3A_35 = tpu.memref_slice %arg6[%dma_start3A, %dma_start3A_33, %dma_start3A_34] : memref<3x32x1024xf32, #tpu.memory_space<vmem>> -> memref<1x32x1024xf32, #tpu.memory_space<vmem>>
    %dma_start3A_36 = tpu.memref_squeeze %dma_start3A_35 : memref<1x32x1024xf32, #tpu.memory_space<vmem>> -> memref<32x1024xf32, #tpu.memory_space<vmem>>
    %dma_start3A_37 = arith.constant 0 : i32
    %dma_start3A_38 = tpu.memref_slice %arg5[%dma_start3A_37] : memref<1024xi32, #tpu.memory_space<vmem>> -> memref<32xi32, #tpu.memory_space<vmem>>
    %dma_start3A_39 = arith.constant 0 : i32
    %dma_start3A_40 = arith.constant 0 : i32
    %dma_start3A_41 = tpu.memref_slice %arg2[%dma_start3A_39, %dma_start3A_40] : memref<8192x1024xf32, #tpu.memory_space<hbm>> -> memref<8192x1024xf32, #tpu.memory_space<hbm>>
    tpu.enqueue_indirect_dma source(%dma_start3A_41 : memref<8192x1024xf32, #tpu.memory_space<hbm>>) target(%dma_start3A_36 : memref<32x1024xf32, #tpu.memory_space<vmem>>) offsets(%dma_start3A_38 : memref<32xi32, #tpu.memory_space<vmem>>) semaphore(%arg7 : memref<!tpu.dma_semaphore, #tpu.memory_space<semaphore_mem>>)
    %dma_start3A_42 = arith.constant 1 : i32
    %dma_start3A_43 = arith.constant 0 : i32
    %dma_start3A_44 = arith.constant 0 : i32
    %dma_start3A_45 = tpu.memref_slice %arg6[%dma_start3A_42, %dma_start3A_43, %dma_start3A_44] : memref<3x32x1024xf32, #tpu.memory_space<vmem>> -> memref<1x32x1024xf32, #tpu.memory_space<vmem>>
    %dma_start3A_46 = tpu.memref_squeeze %dma_start3A_45 : memref<1x32x1024xf32, #tpu.memory_space<vmem>> -> memref<32x1024xf32, #tpu.memory_space<vmem>>
    %dma_start3A_47 = arith.constant 32 : i32
    %dma_start3A_48 = tpu.memref_slice %arg5[%dma_start3A_47] : memref<1024xi32, #tpu.memory_space<vmem>> -> memref<32xi32, #tpu.memory_space<vmem>>
    %dma_start3A_49 = arith.constant 0 : i32
    %dma_start3A_50 = arith.constant 0 : i32
    %dma_start3A_51 = tpu.memref_slice %arg2[%dma_start3A_49, %dma_start3A_50] : memref<8192x1024xf32, #tpu.memory_space<hbm>> -> memref<8192x1024xf32, #tpu.memory_space<hbm>>
    tpu.enqueue_indirect_dma source(%dma_start3A_51 : memref<8192x1024xf32, #tpu.memory_space<hbm>>) target(%dma_start3A_46 : memref<32x1024xf32, #tpu.memory_space<vmem>>) offsets(%dma_start3A_48 : memref<32xi32, #tpu.memory_space<vmem>>) semaphore(%arg7 : memref<!tpu.dma_semaphore, #tpu.memory_space<semaphore_mem>>)
    %scan3A = arith.constant 0 : i32
    %scan3A_52 = arith.constant 0 : i32
    %scan3A_53 = arith.constant 11 : i32
    %scan3A_54 = arith.addi %scan3A_52, %scan3A_53 : i32
    %scan3A_55 = arith.constant 1 : i32
    scf.for %scan3A_107 = %scan3A_52 to %scan3A_54 step %scan3A_55  : i32 {
      %mul3A_108 = arith.constant 3 : i32
      %mul3A_109 = arith.muli %scan3A_107, %mul3A_108 : i32
      %add3A_110 = arith.constant 0 : i32
      %add3A_111 = arith.addi %mul3A_109, %add3A_110 : i32
      %lt3A_112 = arith.constant 32 : i32
      %lt3A_113 = arith.cmpi slt, %add3A_111, %lt3A_112 : i32
      %convert_element_type3A = arith.extui %lt3A_113 : i1 to i32
      %cond3A = arith.constant 0 : i32
      %cond3A_114 = arith.cmpi ne, %convert_element_type3A, %cond3A : i32
      scf.if %cond3A_114 {
        %add3A_133 = arith.constant 2 : i32
        %add3A_134 = arith.addi %add3A_111, %add3A_133 : i32
        %lt3A_135 = arith.constant 32 : i32
        %lt3A_136 = arith.cmpi slt, %add3A_134, %lt3A_135 : i32
        %convert_element_type3A_137 = arith.extui %lt3A_136 : i1 to i32
        %cond3A_138 = arith.constant 0 : i32
        %cond3A_139 = arith.cmpi ne, %convert_element_type3A_137, %cond3A_138 : i32
        scf.if %cond3A_139 {
          %add3A_169 = arith.constant 2 : i32
          %add3A_170 = arith.addi %add3A_111, %add3A_169 : i32
          %ge3A = arith.constant 3 : i32
          %ge3A_171 = arith.cmpi sge, %add3A_170, %ge3A : i32
          %convert_element_type3A_172 = arith.extui %ge3A_171 : i1 to i32
          %cond3A_173 = arith.constant 0 : i32
          %cond3A_174 = arith.cmpi ne, %convert_element_type3A_172, %cond3A_173 : i32
          scf.if %cond3A_174 {
            %add3A_188 = arith.constant 2 : i32
            %add3A_189 = arith.addi %add3A_111, %add3A_188 : i32
            %sub3A_190 = arith.constant 3 : i32
            %sub3A_191 = arith.subi %add3A_189, %sub3A_190 : i32
            %mul3A_192 = arith.constant 32 : i32
            %mul3A_193 = arith.muli %sub3A_191, %mul3A_192 : i32
            %add3A_194 = arith.addi %mul3A_32, %mul3A_193 : i32
            %dma_wait3A_195 = arith.constant 2 : i32
            %dma_wait3A_196 = arith.constant 0 : i32
            %dma_wait3A_197 = arith.constant 0 : i32
            %dma_wait3A_198 = tpu.memref_slice %arg6[%dma_wait3A_195, %dma_wait3A_196, %dma_wait3A_197] : memref<3x32x1024xf32, #tpu.memory_space<vmem>> -> memref<1x32x1024xf32, #tpu.memory_space<vmem>>
            %dma_wait3A_199 = tpu.memref_squeeze %dma_wait3A_198 : memref<1x32x1024xf32, #tpu.memory_space<vmem>> -> memref<32x1024xf32, #tpu.memory_space<vmem>>
            %dma_wait3A_200 = arith.constant 0 : i32
            %dma_wait3A_201 = tpu.memref_slice %arg4[%select_n3A, %add3A_194, %dma_wait3A_200] : memref<4x8192x1024xf32, #tpu.memory_space<hbm>> -> memref<1x32x1024xf32, #tpu.memory_space<hbm>>
            %dma_wait3A_202 = tpu.memref_squeeze %dma_wait3A_201 : memref<1x32x1024xf32, #tpu.memory_space<hbm>> -> memref<32x1024xf32, #tpu.memory_space<hbm>>
            %dma_wait3A_203 = arith.constant 0 : i32
            %dma_wait3A_204 = tpu.memref_slice %arg4[%select_n3A, %add3A_194, %dma_wait3A_203] : memref<4x8192x1024xf32, #tpu.memory_space<hbm>> -> memref<1x32x1024xf32, #tpu.memory_space<hbm>>
            %dma_wait3A_205 = tpu.memref_squeeze %dma_wait3A_204 : memref<1x32x1024xf32, #tpu.memory_space<hbm>> -> memref<32x1024xf32, #tpu.memory_space<hbm>>
            %dma_wait3A_206 = arith.constant 0 : i32
            %dma_wait3A_207 = arith.constant 0 : i32
            %dma_wait3A_208 = tpu.memref_slice %arg6[%dma_wait3A_195, %dma_wait3A_206, %dma_wait3A_207] : memref<3x32x1024xf32, #tpu.memory_space<vmem>> -> memref<1x32x1024xf32, #tpu.memory_space<vmem>>
            %dma_wait3A_209 = tpu.memref_squeeze %dma_wait3A_208 : memref<1x32x1024xf32, #tpu.memory_space<vmem>> -> memref<32x1024xf32, #tpu.memory_space<vmem>>
            tpu.wait_dma2 semaphore(%arg8 : memref<!tpu.dma_semaphore, #tpu.memory_space<semaphore_mem>>) src(%dma_wait3A_209 : memref<32x1024xf32, #tpu.memory_space<vmem>>) dst(%dma_wait3A_205 : memref<32x1024xf32, #tpu.memory_space<hbm>>)
          } else {
          }
          %add3A_175 = arith.constant 2 : i32
          %add3A_176 = arith.addi %add3A_111, %add3A_175 : i32
          %mul3A_177 = arith.constant 32 : i32
          %mul3A_178 = arith.muli %add3A_176, %mul3A_177 : i32
          %dma_start3A_179 = arith.constant 2 : i32
          %dma_start3A_180 = arith.constant 0 : i32
          %dma_start3A_181 = arith.constant 0 : i32
          %dma_start3A_182 = tpu.memref_slice %arg6[%dma_start3A_179, %dma_start3A_180, %dma_start3A_181] : memref<3x32x1024xf32, #tpu.memory_space<vmem>> -> memref<1x32x1024xf32, #tpu.memory_space<vmem>>
          %dma_start3A_183 = tpu.memref_squeeze %dma_start3A_182 : memref<1x32x1024xf32, #tpu.memory_space<vmem>> -> memref<32x1024xf32, #tpu.memory_space<vmem>>
          %dma_start3A_184 = tpu.memref_slice %arg5[%mul3A_178] : memref<1024xi32, #tpu.memory_space<vmem>> -> memref<32xi32, #tpu.memory_space<vmem>>
          %dma_start3A_185 = arith.constant 0 : i32
          %dma_start3A_186 = arith.constant 0 : i32
          %dma_start3A_187 = tpu.memref_slice %arg2[%dma_start3A_185, %dma_start3A_186] : memref<8192x1024xf32, #tpu.memory_space<hbm>> -> memref<8192x1024xf32, #tpu.memory_space<hbm>>
          tpu.enqueue_indirect_dma source(%dma_start3A_187 : memref<8192x1024xf32, #tpu.memory_space<hbm>>) target(%dma_start3A_183 : memref<32x1024xf32, #tpu.memory_space<vmem>>) offsets(%dma_start3A_184 : memref<32xi32, #tpu.memory_space<vmem>>) semaphore(%arg7 : memref<!tpu.dma_semaphore, #tpu.memory_space<semaphore_mem>>)
        } else {
        }
        %mul3A_140 = arith.constant 32 : i32
        %mul3A_141 = arith.muli %add3A_111, %mul3A_140 : i32
        %dma_wait3A_142 = arith.constant 0 : i32
        %dma_wait3A_143 = arith.constant 0 : i32
        %dma_wait3A_144 = arith.constant 0 : i32
        %dma_wait3A_145 = tpu.memref_slice %arg6[%dma_wait3A_142, %dma_wait3A_143, %dma_wait3A_144] : memref<3x32x1024xf32, #tpu.memory_space<vmem>> -> memref<1x32x1024xf32, #tpu.memory_space<vmem>>
        %dma_wait3A_146 = tpu.memref_squeeze %dma_wait3A_145 : memref<1x32x1024xf32, #tpu.memory_space<vmem>> -> memref<32x1024xf32, #tpu.memory_space<vmem>>
        %dma_wait3A_147 = tpu.memref_slice %arg5[%mul3A_141] : memref<1024xi32, #tpu.memory_space<vmem>> -> memref<32xi32, #tpu.memory_space<vmem>>
        %dma_wait3A_148 = arith.constant 0 : i32
        %dma_wait3A_149 = arith.constant 0 : i32
        %dma_wait3A_150 = tpu.memref_slice %arg2[%dma_wait3A_148, %dma_wait3A_149] : memref<8192x1024xf32, #tpu.memory_space<hbm>> -> memref<8192x1024xf32, #tpu.memory_space<hbm>>
        tpu.wait_indirect_dma semaphore(%arg7 : memref<!tpu.dma_semaphore, #tpu.memory_space<semaphore_mem>>) src(%dma_wait3A_150 : memref<8192x1024xf32, #tpu.memory_space<hbm>>) dst(%dma_wait3A_146 : memref<32x1024xf32, #tpu.memory_space<vmem>>)
        %mul3A_151 = arith.constant 32 : i32
        %mul3A_152 = arith.muli %add3A_111, %mul3A_151 : i32
        %add3A_153 = arith.addi %mul3A_32, %mul3A_152 : i32
        %dma_start3A_154 = arith.constant 0 : i32
        %dma_start3A_155 = arith.constant 0 : i32
        %dma_start3A_156 = arith.constant 0 : i32
        %dma_start3A_157 = tpu.memref_slice %arg6[%dma_start3A_154, %dma_start3A_155, %dma_start3A_156] : memref<3x32x1024xf32, #tpu.memory_space<vmem>> -> memref<1x32x1024xf32, #tpu.memory_space<vmem>>
        %dma_start3A_158 = tpu.memref_squeeze %dma_start3A_157 : memref<1x32x1024xf32, #tpu.memory_space<vmem>> -> memref<32x1024xf32, #tpu.memory_space<vmem>>
        %dma_start3A_159 = arith.constant 0 : i32
        %dma_start3A_160 = tpu.memref_slice %arg4[%select_n3A, %add3A_153, %dma_start3A_159] : memref<4x8192x1024xf32, #tpu.memory_space<hbm>> -> memref<1x32x1024xf32, #tpu.memory_space<hbm>>
        %dma_start3A_161 = tpu.memref_squeeze %dma_start3A_160 : memref<1x32x1024xf32, #tpu.memory_space<hbm>> -> memref<32x1024xf32, #tpu.memory_space<hbm>>
        %dma_start3A_162 = arith.constant 0 : i32
        %dma_start3A_163 = tpu.memref_slice %arg4[%select_n3A, %add3A_153, %dma_start3A_162] : memref<4x8192x1024xf32, #tpu.memory_space<hbm>> -> memref<1x32x1024xf32, #tpu.memory_space<hbm>>
        %dma_start3A_164 = tpu.memref_squeeze %dma_start3A_163 : memref<1x32x1024xf32, #tpu.memory_space<hbm>> -> memref<32x1024xf32, #tpu.memory_space<hbm>>
        %dma_start3A_165 = arith.constant 0 : i32
        %dma_start3A_166 = arith.constant 0 : i32
        %dma_start3A_167 = tpu.memref_slice %arg6[%dma_start3A_154, %dma_start3A_165, %dma_start3A_166] : memref<3x32x1024xf32, #tpu.memory_space<vmem>> -> memref<1x32x1024xf32, #tpu.memory_space<vmem>>
        %dma_start3A_168 = tpu.memref_squeeze %dma_start3A_167 : memref<1x32x1024xf32, #tpu.memory_space<vmem>> -> memref<32x1024xf32, #tpu.memory_space<vmem>>
        tpu.enqueue_dma source(%dma_start3A_168 : memref<32x1024xf32, #tpu.memory_space<vmem>>) target(%dma_start3A_164 : memref<32x1024xf32, #tpu.memory_space<hbm>>) target_semaphore(%arg8 : memref<!tpu.dma_semaphore, #tpu.memory_space<semaphore_mem>>)
      } else {
      }
      %mul3A_115 = arith.constant 3 : i32
      %mul3A_116 = arith.muli %scan3A_107, %mul3A_115 : i32
      %add3A_117 = arith.constant 1 : i32
      %add3A_118 = arith.addi %mul3A_116, %add3A_117 : i32
      %lt3A_119 = arith.constant 32 : i32
      %lt3A_120 = arith.cmpi slt, %add3A_118, %lt3A_119 : i32
      %convert_element_type3A_121 = arith.extui %lt3A_120 : i1 to i32
      %cond3A_122 = arith.constant 0 : i32
      %cond3A_123 = arith.cmpi ne, %convert_element_type3A_121, %cond3A_122 : i32
      scf.if %cond3A_123 {
        %add3A_133 = arith.constant 2 : i32
        %add3A_134 = arith.addi %add3A_118, %add3A_133 : i32
        %lt3A_135 = arith.constant 32 : i32
        %lt3A_136 = arith.cmpi slt, %add3A_134, %lt3A_135 : i32
        %convert_element_type3A_137 = arith.extui %lt3A_136 : i1 to i32
        %cond3A_138 = arith.constant 0 : i32
        %cond3A_139 = arith.cmpi ne, %convert_element_type3A_137, %cond3A_138 : i32
        scf.if %cond3A_139 {
          %add3A_169 = arith.constant 2 : i32
          %add3A_170 = arith.addi %add3A_118, %add3A_169 : i32
          %ge3A = arith.constant 3 : i32
          %ge3A_171 = arith.cmpi sge, %add3A_170, %ge3A : i32
          %convert_element_type3A_172 = arith.extui %ge3A_171 : i1 to i32
          %cond3A_173 = arith.constant 0 : i32
          %cond3A_174 = arith.cmpi ne, %convert_element_type3A_172, %cond3A_173 : i32
          scf.if %cond3A_174 {
            %add3A_188 = arith.constant 2 : i32
            %add3A_189 = arith.addi %add3A_118, %add3A_188 : i32
            %sub3A_190 = arith.constant 3 : i32
            %sub3A_191 = arith.subi %add3A_189, %sub3A_190 : i32
            %mul3A_192 = arith.constant 32 : i32
            %mul3A_193 = arith.muli %sub3A_191, %mul3A_192 : i32
            %add3A_194 = arith.addi %mul3A_32, %mul3A_193 : i32
            %dma_wait3A_195 = arith.constant 0 : i32
            %dma_wait3A_196 = arith.constant 0 : i32
            %dma_wait3A_197 = arith.constant 0 : i32
            %dma_wait3A_198 = tpu.memref_slice %arg6[%dma_wait3A_195, %dma_wait3A_196, %dma_wait3A_197] : memref<3x32x1024xf32, #tpu.memory_space<vmem>> -> memref<1x32x1024xf32, #tpu.memory_space<vmem>>
            %dma_wait3A_199 = tpu.memref_squeeze %dma_wait3A_198 : memref<1x32x1024xf32, #tpu.memory_space<vmem>> -> memref<32x1024xf32, #tpu.memory_space<vmem>>
            %dma_wait3A_200 = arith.constant 0 : i32
            %dma_wait3A_201 = tpu.memref_slice %arg4[%select_n3A, %add3A_194, %dma_wait3A_200] : memref<4x8192x1024xf32, #tpu.memory_space<hbm>> -> memref<1x32x1024xf32, #tpu.memory_space<hbm>>
            %dma_wait3A_202 = tpu.memref_squeeze %dma_wait3A_201 : memref<1x32x1024xf32, #tpu.memory_space<hbm>> -> memref<32x1024xf32, #tpu.memory_space<hbm>>
            %dma_wait3A_203 = arith.constant 0 : i32
            %dma_wait3A_204 = tpu.memref_slice %arg4[%select_n3A, %add3A_194, %dma_wait3A_203] : memref<4x8192x1024xf32, #tpu.memory_space<hbm>> -> memref<1x32x1024xf32, #tpu.memory_space<hbm>>
            %dma_wait3A_205 = tpu.memref_squeeze %dma_wait3A_204 : memref<1x32x1024xf32, #tpu.memory_space<hbm>> -> memref<32x1024xf32, #tpu.memory_space<hbm>>
            %dma_wait3A_206 = arith.constant 0 : i32
            %dma_wait3A_207 = arith.constant 0 : i32
            %dma_wait3A_208 = tpu.memref_slice %arg6[%dma_wait3A_195, %dma_wait3A_206, %dma_wait3A_207] : memref<3x32x1024xf32, #tpu.memory_space<vmem>> -> memref<1x32x1024xf32, #tpu.memory_space<vmem>>
            %dma_wait3A_209 = tpu.memref_squeeze %dma_wait3A_208 : memref<1x32x1024xf32, #tpu.memory_space<vmem>> -> memref<32x1024xf32, #tpu.memory_space<vmem>>
            tpu.wait_dma2 semaphore(%arg8 : memref<!tpu.dma_semaphore, #tpu.memory_space<semaphore_mem>>) src(%dma_wait3A_209 : memref<32x1024xf32, #tpu.memory_space<vmem>>) dst(%dma_wait3A_205 : memref<32x1024xf32, #tpu.memory_space<hbm>>)
          } else {
          }
          %add3A_175 = arith.constant 2 : i32
          %add3A_176 = arith.addi %add3A_118, %add3A_175 : i32
          %mul3A_177 = arith.constant 32 : i32
          %mul3A_178 = arith.muli %add3A_176, %mul3A_177 : i32
          %dma_start3A_179 = arith.constant 0 : i32
          %dma_start3A_180 = arith.constant 0 : i32
          %dma_start3A_181 = arith.constant 0 : i32
          %dma_start3A_182 = tpu.memref_slice %arg6[%dma_start3A_179, %dma_start3A_180, %dma_start3A_181] : memref<3x32x1024xf32, #tpu.memory_space<vmem>> -> memref<1x32x1024xf32, #tpu.memory_space<vmem>>
          %dma_start3A_183 = tpu.memref_squeeze %dma_start3A_182 : memref<1x32x1024xf32, #tpu.memory_space<vmem>> -> memref<32x1024xf32, #tpu.memory_space<vmem>>
          %dma_start3A_184 = tpu.memref_slice %arg5[%mul3A_178] : memref<1024xi32, #tpu.memory_space<vmem>> -> memref<32xi32, #tpu.memory_space<vmem>>
          %dma_start3A_185 = arith.constant 0 : i32
          %dma_start3A_186 = arith.constant 0 : i32
          %dma_start3A_187 = tpu.memref_slice %arg2[%dma_start3A_185, %dma_start3A_186] : memref<8192x1024xf32, #tpu.memory_space<hbm>> -> memref<8192x1024xf32, #tpu.memory_space<hbm>>
          tpu.enqueue_indirect_dma source(%dma_start3A_187 : memref<8192x1024xf32, #tpu.memory_space<hbm>>) target(%dma_start3A_183 : memref<32x1024xf32, #tpu.memory_space<vmem>>) offsets(%dma_start3A_184 : memref<32xi32, #tpu.memory_space<vmem>>) semaphore(%arg7 : memref<!tpu.dma_semaphore, #tpu.memory_space<semaphore_mem>>)
        } else {
        }
        %mul3A_140 = arith.constant 32 : i32
        %mul3A_141 = arith.muli %add3A_118, %mul3A_140 : i32
        %dma_wait3A_142 = arith.constant 1 : i32
        %dma_wait3A_143 = arith.constant 0 : i32
        %dma_wait3A_144 = arith.constant 0 : i32
        %dma_wait3A_145 = tpu.memref_slice %arg6[%dma_wait3A_142, %dma_wait3A_143, %dma_wait3A_144] : memref<3x32x1024xf32, #tpu.memory_space<vmem>> -> memref<1x32x1024xf32, #tpu.memory_space<vmem>>
        %dma_wait3A_146 = tpu.memref_squeeze %dma_wait3A_145 : memref<1x32x1024xf32, #tpu.memory_space<vmem>> -> memref<32x1024xf32, #tpu.memory_space<vmem>>
        %dma_wait3A_147 = tpu.memref_slice %arg5[%mul3A_141] : memref<1024xi32, #tpu.memory_space<vmem>> -> memref<32xi32, #tpu.memory_space<vmem>>
        %dma_wait3A_148 = arith.constant 0 : i32
        %dma_wait3A_149 = arith.constant 0 : i32
        %dma_wait3A_150 = tpu.memref_slice %arg2[%dma_wait3A_148, %dma_wait3A_149] : memref<8192x1024xf32, #tpu.memory_space<hbm>> -> memref<8192x1024xf32, #tpu.memory_space<hbm>>
        tpu.wait_indirect_dma semaphore(%arg7 : memref<!tpu.dma_semaphore, #tpu.memory_space<semaphore_mem>>) src(%dma_wait3A_150 : memref<8192x1024xf32, #tpu.memory_space<hbm>>) dst(%dma_wait3A_146 : memref<32x1024xf32, #tpu.memory_space<vmem>>)
        %mul3A_151 = arith.constant 32 : i32
        %mul3A_152 = arith.muli %add3A_118, %mul3A_151 : i32
        %add3A_153 = arith.addi %mul3A_32, %mul3A_152 : i32
        %dma_start3A_154 = arith.constant 1 : i32
        %dma_start3A_155 = arith.constant 0 : i32
        %dma_start3A_156 = arith.constant 0 : i32
        %dma_start3A_157 = tpu.memref_slice %arg6[%dma_start3A_154, %dma_start3A_155, %dma_start3A_156] : memref<3x32x1024xf32, #tpu.memory_space<vmem>> -> memref<1x32x1024xf32, #tpu.memory_space<vmem>>
        %dma_start3A_158 = tpu.memref_squeeze %dma_start3A_157 : memref<1x32x1024xf32, #tpu.memory_space<vmem>> -> memref<32x1024xf32, #tpu.memory_space<vmem>>
        %dma_start3A_159 = arith.constant 0 : i32
        %dma_start3A_160 = tpu.memref_slice %arg4[%select_n3A, %add3A_153, %dma_start3A_159] : memref<4x8192x1024xf32, #tpu.memory_space<hbm>> -> memref<1x32x1024xf32, #tpu.memory_space<hbm>>
        %dma_start3A_161 = tpu.memref_squeeze %dma_start3A_160 : memref<1x32x1024xf32, #tpu.memory_space<hbm>> -> memref<32x1024xf32, #tpu.memory_space<hbm>>
        %dma_start3A_162 = arith.constant 0 : i32
        %dma_start3A_163 = tpu.memref_slice %arg4[%select_n3A, %add3A_153, %dma_start3A_162] : memref<4x8192x1024xf32, #tpu.memory_space<hbm>> -> memref<1x32x1024xf32, #tpu.memory_space<hbm>>
        %dma_start3A_164 = tpu.memref_squeeze %dma_start3A_163 : memref<1x32x1024xf32, #tpu.memory_space<hbm>> -> memref<32x1024xf32, #tpu.memory_space<hbm>>
        %dma_start3A_165 = arith.constant 0 : i32
        %dma_start3A_166 = arith.constant 0 : i32
        %dma_start3A_167 = tpu.memref_slice %arg6[%dma_start3A_154, %dma_start3A_165, %dma_start3A_166] : memref<3x32x1024xf32, #tpu.memory_space<vmem>> -> memref<1x32x1024xf32, #tpu.memory_space<vmem>>
        %dma_start3A_168 = tpu.memref_squeeze %dma_start3A_167 : memref<1x32x1024xf32, #tpu.memory_space<vmem>> -> memref<32x1024xf32, #tpu.memory_space<vmem>>
        tpu.enqueue_dma source(%dma_start3A_168 : memref<32x1024xf32, #tpu.memory_space<vmem>>) target(%dma_start3A_164 : memref<32x1024xf32, #tpu.memory_space<hbm>>) target_semaphore(%arg8 : memref<!tpu.dma_semaphore, #tpu.memory_space<semaphore_mem>>)
      } else {
      }
      %mul3A_124 = arith.constant 3 : i32
      %mul3A_125 = arith.muli %scan3A_107, %mul3A_124 : i32
      %add3A_126 = arith.constant 2 : i32
      %add3A_127 = arith.addi %mul3A_125, %add3A_126 : i32
      %lt3A_128 = arith.constant 32 : i32
      %lt3A_129 = arith.cmpi slt, %add3A_127, %lt3A_128 : i32
      %convert_element_type3A_130 = arith.extui %lt3A_129 : i1 to i32
      %cond3A_131 = arith.constant 0 : i32
      %cond3A_132 = arith.cmpi ne, %convert_element_type3A_130, %cond3A_131 : i32
      scf.if %cond3A_132 {
        %add3A_133 = arith.constant 2 : i32
        %add3A_134 = arith.addi %add3A_127, %add3A_133 : i32
        %lt3A_135 = arith.constant 32 : i32
        %lt3A_136 = arith.cmpi slt, %add3A_134, %lt3A_135 : i32
        %convert_element_type3A_137 = arith.extui %lt3A_136 : i1 to i32
        %cond3A_138 = arith.constant 0 : i32
        %cond3A_139 = arith.cmpi ne, %convert_element_type3A_137, %cond3A_138 : i32
        scf.if %cond3A_139 {
          %add3A_169 = arith.constant 2 : i32
          %add3A_170 = arith.addi %add3A_127, %add3A_169 : i32
          %ge3A = arith.constant 3 : i32
          %ge3A_171 = arith.cmpi sge, %add3A_170, %ge3A : i32
          %convert_element_type3A_172 = arith.extui %ge3A_171 : i1 to i32
          %cond3A_173 = arith.constant 0 : i32
          %cond3A_174 = arith.cmpi ne, %convert_element_type3A_172, %cond3A_173 : i32
          scf.if %cond3A_174 {
            %add3A_188 = arith.constant 2 : i32
            %add3A_189 = arith.addi %add3A_127, %add3A_188 : i32
            %sub3A_190 = arith.constant 3 : i32
            %sub3A_191 = arith.subi %add3A_189, %sub3A_190 : i32
            %mul3A_192 = arith.constant 32 : i32
            %mul3A_193 = arith.muli %sub3A_191, %mul3A_192 : i32
            %add3A_194 = arith.addi %mul3A_32, %mul3A_193 : i32
            %dma_wait3A_195 = arith.constant 1 : i32
            %dma_wait3A_196 = arith.constant 0 : i32
            %dma_wait3A_197 = arith.constant 0 : i32
            %dma_wait3A_198 = tpu.memref_slice %arg6[%dma_wait3A_195, %dma_wait3A_196, %dma_wait3A_197] : memref<3x32x1024xf32, #tpu.memory_space<vmem>> -> memref<1x32x1024xf32, #tpu.memory_space<vmem>>
            %dma_wait3A_199 = tpu.memref_squeeze %dma_wait3A_198 : memref<1x32x1024xf32, #tpu.memory_space<vmem>> -> memref<32x1024xf32, #tpu.memory_space<vmem>>
            %dma_wait3A_200 = arith.constant 0 : i32
            %dma_wait3A_201 = tpu.memref_slice %arg4[%select_n3A, %add3A_194, %dma_wait3A_200] : memref<4x8192x1024xf32, #tpu.memory_space<hbm>> -> memref<1x32x1024xf32, #tpu.memory_space<hbm>>
            %dma_wait3A_202 = tpu.memref_squeeze %dma_wait3A_201 : memref<1x32x1024xf32, #tpu.memory_space<hbm>> -> memref<32x1024xf32, #tpu.memory_space<hbm>>
            %dma_wait3A_203 = arith.constant 0 : i32
            %dma_wait3A_204 = tpu.memref_slice %arg4[%select_n3A, %add3A_194, %dma_wait3A_203] : memref<4x8192x1024xf32, #tpu.memory_space<hbm>> -> memref<1x32x1024xf32, #tpu.memory_space<hbm>>
            %dma_wait3A_205 = tpu.memref_squeeze %dma_wait3A_204 : memref<1x32x1024xf32, #tpu.memory_space<hbm>> -> memref<32x1024xf32, #tpu.memory_space<hbm>>
            %dma_wait3A_206 = arith.constant 0 : i32
            %dma_wait3A_207 = arith.constant 0 : i32
            %dma_wait3A_208 = tpu.memref_slice %arg6[%dma_wait3A_195, %dma_wait3A_206, %dma_wait3A_207] : memref<3x32x1024xf32, #tpu.memory_space<vmem>> -> memref<1x32x1024xf32, #tpu.memory_space<vmem>>
            %dma_wait3A_209 = tpu.memref_squeeze %dma_wait3A_208 : memref<1x32x1024xf32, #tpu.memory_space<vmem>> -> memref<32x1024xf32, #tpu.memory_space<vmem>>
            tpu.wait_dma2 semaphore(%arg8 : memref<!tpu.dma_semaphore, #tpu.memory_space<semaphore_mem>>) src(%dma_wait3A_209 : memref<32x1024xf32, #tpu.memory_space<vmem>>) dst(%dma_wait3A_205 : memref<32x1024xf32, #tpu.memory_space<hbm>>)
          } else {
          }
          %add3A_175 = arith.constant 2 : i32
          %add3A_176 = arith.addi %add3A_127, %add3A_175 : i32
          %mul3A_177 = arith.constant 32 : i32
          %mul3A_178 = arith.muli %add3A_176, %mul3A_177 : i32
          %dma_start3A_179 = arith.constant 1 : i32
          %dma_start3A_180 = arith.constant 0 : i32
          %dma_start3A_181 = arith.constant 0 : i32
          %dma_start3A_182 = tpu.memref_slice %arg6[%dma_start3A_179, %dma_start3A_180, %dma_start3A_181] : memref<3x32x1024xf32, #tpu.memory_space<vmem>> -> memref<1x32x1024xf32, #tpu.memory_space<vmem>>
          %dma_start3A_183 = tpu.memref_squeeze %dma_start3A_182 : memref<1x32x1024xf32, #tpu.memory_space<vmem>> -> memref<32x1024xf32, #tpu.memory_space<vmem>>
          %dma_start3A_184 = tpu.memref_slice %arg5[%mul3A_178] : memref<1024xi32, #tpu.memory_space<vmem>> -> memref<32xi32, #tpu.memory_space<vmem>>
          %dma_start3A_185 = arith.constant 0 : i32
          %dma_start3A_186 = arith.constant 0 : i32
          %dma_start3A_187 = tpu.memref_slice %arg2[%dma_start3A_185, %dma_start3A_186] : memref<8192x1024xf32, #tpu.memory_space<hbm>> -> memref<8192x1024xf32, #tpu.memory_space<hbm>>
          tpu.enqueue_indirect_dma source(%dma_start3A_187 : memref<8192x1024xf32, #tpu.memory_space<hbm>>) target(%dma_start3A_183 : memref<32x1024xf32, #tpu.memory_space<vmem>>) offsets(%dma_start3A_184 : memref<32xi32, #tpu.memory_space<vmem>>) semaphore(%arg7 : memref<!tpu.dma_semaphore, #tpu.memory_space<semaphore_mem>>)
        } else {
        }
        %mul3A_140 = arith.constant 32 : i32
        %mul3A_141 = arith.muli %add3A_127, %mul3A_140 : i32
        %dma_wait3A_142 = arith.constant 2 : i32
        %dma_wait3A_143 = arith.constant 0 : i32
        %dma_wait3A_144 = arith.constant 0 : i32
        %dma_wait3A_145 = tpu.memref_slice %arg6[%dma_wait3A_142, %dma_wait3A_143, %dma_wait3A_144] : memref<3x32x1024xf32, #tpu.memory_space<vmem>> -> memref<1x32x1024xf32, #tpu.memory_space<vmem>>
        %dma_wait3A_146 = tpu.memref_squeeze %dma_wait3A_145 : memref<1x32x1024xf32, #tpu.memory_space<vmem>> -> memref<32x1024xf32, #tpu.memory_space<vmem>>
        %dma_wait3A_147 = tpu.memref_slice %arg5[%mul3A_141] : memref<1024xi32, #tpu.memory_space<vmem>> -> memref<32xi32, #tpu.memory_space<vmem>>
        %dma_wait3A_148 = arith.constant 0 : i32
        %dma_wait3A_149 = arith.constant 0 : i32
        %dma_wait3A_150 = tpu.memref_slice %arg2[%dma_wait3A_148, %dma_wait3A_149] : memref<8192x1024xf32, #tpu.memory_space<hbm>> -> memref<8192x1024xf32, #tpu.memory_space<hbm>>
        tpu.wait_indirect_dma semaphore(%arg7 : memref<!tpu.dma_semaphore, #tpu.memory_space<semaphore_mem>>) src(%dma_wait3A_150 : memref<8192x1024xf32, #tpu.memory_space<hbm>>) dst(%dma_wait3A_146 : memref<32x1024xf32, #tpu.memory_space<vmem>>)
        %mul3A_151 = arith.constant 32 : i32
        %mul3A_152 = arith.muli %add3A_127, %mul3A_151 : i32
        %add3A_153 = arith.addi %mul3A_32, %mul3A_152 : i32
        %dma_start3A_154 = arith.constant 2 : i32
        %dma_start3A_155 = arith.constant 0 : i32
        %dma_start3A_156 = arith.constant 0 : i32
        %dma_start3A_157 = tpu.memref_slice %arg6[%dma_start3A_154, %dma_start3A_155, %dma_start3A_156] : memref<3x32x1024xf32, #tpu.memory_space<vmem>> -> memref<1x32x1024xf32, #tpu.memory_space<vmem>>
        %dma_start3A_158 = tpu.memref_squeeze %dma_start3A_157 : memref<1x32x1024xf32, #tpu.memory_space<vmem>> -> memref<32x1024xf32, #tpu.memory_space<vmem>>
        %dma_start3A_159 = arith.constant 0 : i32
        %dma_start3A_160 = tpu.memref_slice %arg4[%select_n3A, %add3A_153, %dma_start3A_159] : memref<4x8192x1024xf32, #tpu.memory_space<hbm>> -> memref<1x32x1024xf32, #tpu.memory_space<hbm>>
        %dma_start3A_161 = tpu.memref_squeeze %dma_start3A_160 : memref<1x32x1024xf32, #tpu.memory_space<hbm>> -> memref<32x1024xf32, #tpu.memory_space<hbm>>
        %dma_start3A_162 = arith.constant 0 : i32
        %dma_start3A_163 = tpu.memref_slice %arg4[%select_n3A, %add3A_153, %dma_start3A_162] : memref<4x8192x1024xf32, #tpu.memory_space<hbm>> -> memref<1x32x1024xf32, #tpu.memory_space<hbm>>
        %dma_start3A_164 = tpu.memref_squeeze %dma_start3A_163 : memref<1x32x1024xf32, #tpu.memory_space<hbm>> -> memref<32x1024xf32, #tpu.memory_space<hbm>>
        %dma_start3A_165 = arith.constant 0 : i32
        %dma_start3A_166 = arith.constant 0 : i32
        %dma_start3A_167 = tpu.memref_slice %arg6[%dma_start3A_154, %dma_start3A_165, %dma_start3A_166] : memref<3x32x1024xf32, #tpu.memory_space<vmem>> -> memref<1x32x1024xf32, #tpu.memory_space<vmem>>
        %dma_start3A_168 = tpu.memref_squeeze %dma_start3A_167 : memref<1x32x1024xf32, #tpu.memory_space<vmem>> -> memref<32x1024xf32, #tpu.memory_space<vmem>>
        tpu.enqueue_dma source(%dma_start3A_168 : memref<32x1024xf32, #tpu.memory_space<vmem>>) target(%dma_start3A_164 : memref<32x1024xf32, #tpu.memory_space<hbm>>) target_semaphore(%arg8 : memref<!tpu.dma_semaphore, #tpu.memory_space<semaphore_mem>>)
      } else {
      }
    }
    %scan3A_56 = arith.constant 11 : i32
    %add3A_57 = arith.constant 928 : i32
    %add3A_58 = arith.addi %mul3A_32, %add3A_57 : i32
    %dma_wait3A = arith.constant 2 : i32
    %dma_wait3A_59 = arith.constant 0 : i32
    %dma_wait3A_60 = arith.constant 0 : i32
    %dma_wait3A_61 = tpu.memref_slice %arg6[%dma_wait3A, %dma_wait3A_59, %dma_wait3A_60] : memref<3x32x1024xf32, #tpu.memory_space<vmem>> -> memref<1x32x1024xf32, #tpu.memory_space<vmem>>
    %dma_wait3A_62 = tpu.memref_squeeze %dma_wait3A_61 : memref<1x32x1024xf32, #tpu.memory_space<vmem>> -> memref<32x1024xf32, #tpu.memory_space<vmem>>
    %dma_wait3A_63 = arith.constant 0 : i32
    %dma_wait3A_64 = tpu.memref_slice %arg4[%select_n3A, %add3A_58, %dma_wait3A_63] : memref<4x8192x1024xf32, #tpu.memory_space<hbm>> -> memref<1x32x1024xf32, #tpu.memory_space<hbm>>
    %dma_wait3A_65 = tpu.memref_squeeze %dma_wait3A_64 : memref<1x32x1024xf32, #tpu.memory_space<hbm>> -> memref<32x1024xf32, #tpu.memory_space<hbm>>
    %dma_wait3A_66 = arith.constant 0 : i32
    %dma_wait3A_67 = tpu.memref_slice %arg4[%select_n3A, %add3A_58, %dma_wait3A_66] : memref<4x8192x1024xf32, #tpu.memory_space<hbm>> -> memref<1x32x1024xf32, #tpu.memory_space<hbm>>
    %dma_wait3A_68 = tpu.memref_squeeze %dma_wait3A_67 : memref<1x32x1024xf32, #tpu.memory_space<hbm>> -> memref<32x1024xf32, #tpu.memory_space<hbm>>
    %dma_wait3A_69 = arith.constant 0 : i32
    %dma_wait3A_70 = arith.constant 0 : i32
    %dma_wait3A_71 = tpu.memref_slice %arg6[%dma_wait3A, %dma_wait3A_69, %dma_wait3A_70] : memref<3x32x1024xf32, #tpu.memory_space<vmem>> -> memref<1x32x1024xf32, #tpu.memory_space<vmem>>
    %dma_wait3A_72 = tpu.memref_squeeze %dma_wait3A_71 : memref<1x32x1024xf32, #tpu.memory_space<vmem>> -> memref<32x1024xf32, #tpu.memory_space<vmem>>
    tpu.wait_dma2 semaphore(%arg8 : memref<!tpu.dma_semaphore, #tpu.memory_space<semaphore_mem>>) src(%dma_wait3A_72 : memref<32x1024xf32, #tpu.memory_space<vmem>>) dst(%dma_wait3A_68 : memref<32x1024xf32, #tpu.memory_space<hbm>>)
    %add3A_73 = arith.constant 960 : i32
    %add3A_74 = arith.addi %mul3A_32, %add3A_73 : i32
    %dma_wait3A_75 = arith.constant 0 : i32
    %dma_wait3A_76 = arith.constant 0 : i32
    %dma_wait3A_77 = arith.constant 0 : i32
    %dma_wait3A_78 = tpu.memref_slice %arg6[%dma_wait3A_75, %dma_wait3A_76, %dma_wait3A_77] : memref<3x32x1024xf32, #tpu.memory_space<vmem>> -> memref<1x32x1024xf32, #tpu.memory_space<vmem>>
    %dma_wait3A_79 = tpu.memref_squeeze %dma_wait3A_78 : memref<1x32x1024xf32, #tpu.memory_space<vmem>> -> memref<32x1024xf32, #tpu.memory_space<vmem>>
    %dma_wait3A_80 = arith.constant 0 : i32
    %dma_wait3A_81 = tpu.memref_slice %arg4[%select_n3A, %add3A_74, %dma_wait3A_80] : memref<4x8192x1024xf32, #tpu.memory_space<hbm>> -> memref<1x32x1024xf32, #tpu.memory_space<hbm>>
    %dma_wait3A_82 = tpu.memref_squeeze %dma_wait3A_81 : memref<1x32x1024xf32, #tpu.memory_space<hbm>> -> memref<32x1024xf32, #tpu.memory_space<hbm>>
    %dma_wait3A_83 = arith.constant 0 : i32
    %dma_wait3A_84 = tpu.memref_slice %arg4[%select_n3A, %add3A_74, %dma_wait3A_83] : memref<4x8192x1024xf32, #tpu.memory_space<hbm>> -> memref<1x32x1024xf32, #tpu.memory_space<hbm>>
    %dma_wait3A_85 = tpu.memref_squeeze %dma_wait3A_84 : memref<1x32x1024xf32, #tpu.memory_space<hbm>> -> memref<32x1024xf32, #tpu.memory_space<hbm>>
    %dma_wait3A_86 = arith.constant 0 : i32
    %dma_wait3A_87 = arith.constant 0 : i32
    %dma_wait3A_88 = tpu.memref_slice %arg6[%dma_wait3A_75, %dma_wait3A_86, %dma_wait3A_87] : memref<3x32x1024xf32, #tpu.memory_space<vmem>> -> memref<1x32x1024xf32, #tpu.memory_space<vmem>>
    %dma_wait3A_89 = tpu.memref_squeeze %dma_wait3A_88 : memref<1x32x1024xf32, #tpu.memory_space<vmem>> -> memref<32x1024xf32, #tpu.memory_space<vmem>>
    tpu.wait_dma2 semaphore(%arg8 : memref<!tpu.dma_semaphore, #tpu.memory_space<semaphore_mem>>) src(%dma_wait3A_89 : memref<32x1024xf32, #tpu.memory_space<vmem>>) dst(%dma_wait3A_85 : memref<32x1024xf32, #tpu.memory_space<hbm>>)
    %add3A_90 = arith.constant 992 : i32
    %add3A_91 = arith.addi %mul3A_32, %add3A_90 : i32
    %dma_wait3A_92 = arith.constant 1 : i32
    %dma_wait3A_93 = arith.constant 0 : i32
    %dma_wait3A_94 = arith.constant 0 : i32
    %dma_wait3A_95 = tpu.memref_slice %arg6[%dma_wait3A_92, %dma_wait3A_93, %dma_wait3A_94] : memref<3x32x1024xf32, #tpu.memory_space<vmem>> -> memref<1x32x1024xf32, #tpu.memory_space<vmem>>
    %dma_wait3A_96 = tpu.memref_squeeze %dma_wait3A_95 : memref<1x32x1024xf32, #tpu.memory_space<vmem>> -> memref<32x1024xf32, #tpu.memory_space<vmem>>
    %dma_wait3A_97 = arith.constant 0 : i32
    %dma_wait3A_98 = tpu.memref_slice %arg4[%select_n3A, %add3A_91, %dma_wait3A_97] : memref<4x8192x1024xf32, #tpu.memory_space<hbm>> -> memref<1x32x1024xf32, #tpu.memory_space<hbm>>
    %dma_wait3A_99 = tpu.memref_squeeze %dma_wait3A_98 : memref<1x32x1024xf32, #tpu.memory_space<hbm>> -> memref<32x1024xf32, #tpu.memory_space<hbm>>
    %dma_wait3A_100 = arith.constant 0 : i32
    %dma_wait3A_101 = tpu.memref_slice %arg4[%select_n3A, %add3A_91, %dma_wait3A_100] : memref<4x8192x1024xf32, #tpu.memory_space<hbm>> -> memref<1x32x1024xf32, #tpu.memory_space<hbm>>
    %dma_wait3A_102 = tpu.memref_squeeze %dma_wait3A_101 : memref<1x32x1024xf32, #tpu.memory_space<hbm>> -> memref<32x1024xf32, #tpu.memory_space<hbm>>
    %dma_wait3A_103 = arith.constant 0 : i32
    %dma_wait3A_104 = arith.constant 0 : i32
    %dma_wait3A_105 = tpu.memref_slice %arg6[%dma_wait3A_92, %dma_wait3A_103, %dma_wait3A_104] : memref<3x32x1024xf32, #tpu.memory_space<vmem>> -> memref<1x32x1024xf32, #tpu.memory_space<vmem>>
    %dma_wait3A_106 = tpu.memref_squeeze %dma_wait3A_105 : memref<1x32x1024xf32, #tpu.memory_space<vmem>> -> memref<32x1024xf32, #tpu.memory_space<vmem>>
    tpu.wait_dma2 semaphore(%arg8 : memref<!tpu.dma_semaphore, #tpu.memory_space<semaphore_mem>>) src(%dma_wait3A_106 : memref<32x1024xf32, #tpu.memory_space<vmem>>) dst(%dma_wait3A_102 : memref<32x1024xf32, #tpu.memory_space<hbm>>)
    return
  }
}

</mosaic_0001>

<sc_bundles>
// kernel: kernel.3.cloned.1.call-start
scs
__scs_entry_jumppad:
0x0: {  	(pc) =	sbr.rel $0x88, $3  }
0x1: {  	(tag) =	ssettag $0x0;
	lr =	simm.s32 $0x1  }
0x2: {  	[smem:$0x3F9F] =	sst lr;
	_ =	strace $0xD0000000  }
0x3: {  	_ = 	snop  }
0x4: {  	_ = 	snop  }
0x5: {  	_ = 	snop  }
0x6: {  	_ = 	snop  }
0x7: {  	_ = 	snop  }
__scs_overlays_trampoline_lowered:
0x8: {  	[smem:$0x3FAE] =	sst s0  }
0x9: {  	[smem:$0x3FAF] =	sst s1  }
0xa: {  	[smem:$0x3FB0] =	sst s2  }
0xb: {  	[smem:$0x3FB1] =	sst s3  }
0xc: {  	[smem:$0x3FB2] =	sst s4  }
0xd: {  	[smem:$0x3FB3] =	sst s5  }
0xe: {  	[smem:$0x3FB4] =	sst s6  }
0xf: {  	[smem:$0x3FB5] =	sst s7  }
0x10: {  	[smem:$0x3FB6] =	sst s8  }
0x11: {  	[smem:$0x3FB7] =	sst s9;
	s0 =	simm.s32 @!p0 $0x0  }
0x12: {  	s1 =	sld [smem:$0x3F9D];
	s0 =	simm.s32 @p0 $0x1  }
0x13: {  	[smem:$0x3FB8] =	sst s0;
	s0 =	simm.s32 @!p1 $0x0  }
0x14: {  	s2 =	sld [smem:$0x3F9C];
	s0 =	simm.s32 @p1 $0x1  }
0x15: {  	[smem:$0x3FB9] =	sst s0;
	s0 =	simm.s32 @!p2 $0x0  }
0x16: {  	s3 =	sld [smem:$0x3FDB];
	s0 =	simm.s32 @p2 $0x1  }
0x17: {  	s4 =	simm.s32 $0x1BF5;
	[smem:$0x3FBB] =	sst s0  }
0x18: {  	s0 =	sld [smem:$0x3F9E];
	_ =	swait.ge [sflag:s4], $0x0  }
0x19: {  	s7 =	sld [smem:$0x3F9F]  }
0x1a: {  	s8 =	sadd.s32 $0xFFFFE003, lr  }
0x1b: {  	s9 =	sadd.s32 $0xFFFFFEF7, lr;
	s5 =	simm.s32 $0xFFFFFFFF;
	p2 =	slt.u32 s8, $0xFFFFF086  }
0x1c: {  	p1 =	slt.u32 s9, $0xF7A;
	s5 =	simm.s32 @!p2 $0x0  }
0x1d: {  	s5 =	simm.s32 @p1 $0x1;
	p0 =	seq.s32 s7, s2  }
0x1e: {  	s7 =	smul.u32 @!p0 $0xF7A, s2;
	p2 =	seq.s32 @!p0 s5, $0x0  }
0x1f: {  	s9 =	smul.u32 $0xF7A, s1;
	s8 =	simm.s32 @!p0 $0x1BF5;
	p2 =	por !p2, p0  }
0x20: {  	[sflag:s8] =	ssyncset.s32 @!p0 $0xFFFFF086;
	s6 =	sadd.s32 @!p0 s3, s7;
	s7 =	simm.s32 @!p0 $0x108  }
0x21: {  	s3 =	sadd.s32 s3, s9;
	s6 =	sadd.s32 @!p0 $0x88, s6;
	s7 =	simm.s32 @p2 $0x1082  }
0x22: {  	[simem:s7], [sflag:s8] =	dma.local @!p0 [hbm:s6], $0xF7A  }
0x23: {  	s9 =	sor.u32 $0xD0000000, s2;
	s6 =	simm.s32 $0x108;
	_ =	swait.ge @!p0 [sflag:s8], $0x0  }
0x24: {  	s3 =	sadd.s32 $0x88, s3;
	s6 =	simm.s32 @!p1 $0x1082;
	[sflag:s4] =	ssyncset.s32 $0xFFFFF086  }
0x25: {  	[simem:s6], [sflag:s4] =	dma.local [hbm:s3], $0xF7A  }
0x26: {  	[smem:$0x3F9F] =	sst s1;
	(tag) =	ssettag s2;
	_ =	strace s9  }
0x27: {  	s1 =	sld [smem:$0x3FAF]  }
0x28: {  	s2 =	sld [smem:$0x3FB0]  }
0x29: {  	s4 =	sld [smem:$0x3FB2]  }
0x2a: {  	p0 =	seq.s32 s5, $0x0;
	s5 =	sld [smem:$0x3FB3]  }
0x2b: {  	s6 =	sld [smem:$0x3FB4]  }
0x2c: {  	s7 =	sld [smem:$0x3FB5]  }
0x2d: {  	s3 =	simm.s32 $0x108;
	s8 =	sld [smem:$0x3FB6]  }
0x2e: {  	s3 =	simm.s32 @!p0 $0x1082;
	s9 =	sld [smem:$0x3FB7]  }
0x2f: {  	lr =	sadd.s32 s0, s3;
	s0 =	sld [smem:$0x3FAE]  }
0x30: {  	s3 =	sld [smem:$0x3FB1]  }
0x31: {  	[smem:$0x3FBA] =	sst s10  }
0x32: {  	s10 =	sld [smem:$0x3FB8];
	_ =	sdelay $0x3  }
0x33: {  	p0 =	seq.s32 s10, $0x1;
	s10 =	sld [smem:$0x3FBA];
	_ =	sdelay $0x3  }
0x34: {  	[smem:$0x3FBA] =	sst s10  }
0x35: {  	s10 =	sld [smem:$0x3FB9];
	_ =	sdelay $0x3  }
0x36: {  	p1 =	seq.s32 s10, $0x1;
	s10 =	sld [smem:$0x3FBA];
	_ =	sdelay $0x3  }
0x37: {  	[smem:$0x3FBA] =	sst s10  }
0x38: {  	s10 =	sld [smem:$0x3FBB]  }
0x39: {  	_ = 	snop;
	(pc) =	sbr.ind lr, $3  }
0x3a: {  	_ = 	snop  }
0x3b: {  	_ = 	snop  }
0x3c: {  	p2 =	seq.s32 s10, $0x1;
	s10 =	sld [smem:$0x3FBA]  }
0x3d: {  	_ =	shalt  }
0x3e: {  	_ =	shalt  }
0x3f: {  	_ =	shalt  }
0x40: {  	_ =	shalt  }
0x41: {  	_ =	shalt  }
0x42: {  	_ =	shalt  }
0x43: {  	_ =	shalt  }
0x44: {  	_ =	shalt  }
0x45: {  	_ =	shalt  }
0x46: {  	_ =	shalt  }
0x47: {  	_ =	shalt  }
0x48: {  	_ =	shalt  }
0x49: {  	_ =	shalt  }
0x4a: {  	_ =	shalt  }
0x4b: {  	_ =	shalt  }
0x4c: {  	_ =	shalt  }
0x4d: {  	_ =	shalt  }
0x4e: {  	_ =	shalt  }
0x4f: {  	_ =	shalt  }
0x50: {  	_ =	shalt  }
0x51: {  	_ =	shalt  }
0x52: {  	_ =	shalt  }
0x53: {  	_ =	shalt  }
0x54: {  	_ =	shalt  }
0x55: {  	_ =	shalt  }
0x56: {  	_ =	shalt  }
0x57: {  	_ =	shalt  }
0x58: {  	_ =	shalt  }
0x59: {  	_ =	shalt  }
0x5a: {  	_ =	shalt  }
0x5b: {  	_ =	shalt  }
0x5c: {  	_ =	shalt  }
0x5d: {  	_ =	shalt  }
0x5e: {  	_ =	shalt  }
0x5f: {  	_ =	shalt  }
0x60: {  	_ =	shalt  }
0x61: {  	_ =	shalt  }
0x62: {  	_ =	shalt  }
0x63: {  	_ =	shalt  }
0x64: {  	_ =	shalt  }
0x65: {  	_ =	shalt  }
0x66: {  	_ =	shalt  }
0x67: {  	_ =	shalt  }
0x68: {  	_ =	shalt  }
0x69: {  	_ =	shalt  }
0x6a: {  	_ =	shalt  }
0x6b: {  	_ =	shalt  }
0x6c: {  	_ =	shalt  }
0x6d: {  	_ =	shalt  }
0x6e: {  	_ =	shalt  }
0x6f: {  	_ =	shalt  }
0x70: {  	_ =	shalt  }
0x71: {  	_ =	shalt  }
0x72: {  	_ =	shalt  }
0x73: {  	_ =	shalt  }
0x74: {  	_ =	shalt  }
0x75: {  	_ =	shalt  }
0x76: {  	_ =	shalt  }
0x77: {  	_ =	shalt  }
0x78: {  	_ =	shalt  }
0x79: {  	_ =	shalt  }
0x7a: {  	_ =	shalt  }
0x7b: {  	_ =	shalt  }
0x7c: {  	_ =	shalt  }
0x7d: {  	_ =	shalt  }
0x7e: {  	_ =	shalt  }
0x7f: {  	_ =	shalt  }
0x80: {  	_ =	shalt  }
0x81: {  	_ =	shalt  }
0x82: {  	_ =	shalt  }
0x83: {  	_ =	shalt  }
0x84: {  	_ =	shalt  }
0x85: {  	_ =	shalt  }
0x86: {  	_ =	shalt  }
0x87: {  	_ =	shalt  }
.Lfunc_end0:
.L_simem_size_0:
called_computation_lowered:
.L_overlay_start_0:
0x88: {  	s2 =	sld [smem:$0x3FD9]  }
0x89: {  	s3 =	sld [smem:$0x3FFE];
	_ =	sdelay $0x1  }
0x8a: {  	s1 =	srdreg.scid  }
0x8b: {  	s0 =	sand.u32 $0x1, s1  }
0x8c: {  	s18 =	sshll.u32 s0, $0xA;
	s2 =	sadd.s32 s3, s2  }
0x8d: {  	s2 =	sadd.s32 s2, s18  }
0x8e: {  	[smem:$0x3FC6] =	sst s2  }
0x8f: {  	_ = 	snop  }
0x90: {  	s2 =	sld [smem:$0x3FC9]  }
0x91: {  	s19 =	sld [smem:$0x3FC8]  }
0x92: {  	s4 =	sld [smem:$0x3FD0];
	(tm) =	ssettm $0x1  }
0x93: {  	s5 =	sld [smem:$0x3FFB];
	_ =	sdelay $0x3  }
0x94: {  	_ =	strace s5  }
0x95: {  	s5 =	sld [smem:$0x3FFC];
	_ =	sdelay $0x3  }
0x96: {  	_ =	strace s5  }
0x97: {  	s5 =	sld [smem:$0x3FFD];
	_ =	sdelay $0x3  }
0x98: {  	_ =	strace s5  }
0x99: {  	_ =	strace $0x8FFFFFFF  }
0x9a: {  	s20 =	sld [smem:$0x3FDB];
	_ =	sdelay $0x1  }
0x9b: {  	s6 =	simm.s32 $_scs_section_size  }
0x9c: {  	s7 =	simm.s32 $_size__tile_overlayer_lowered;
	s8 =	simm.s32 $_tile_overlayer_lowered  }
0x9d: {  	s23 =	simm.s32 $0x1BFF;
	s22 =	sshll.u32 s8, $0x1;
	s5 =	sadd.s32 s6, s20  }
0x9e: {  	s9 =	simm.s32 $0x0;
	s21 =	sshll.u32 s7, $0x1;
	s7 =	sadd.s32 s22, s5  }
0x9f: {  	[timem:s9], [sflag:s23] =	dma.local [hbm:s7], s21  }
0xa0: {  	_ =	swait.ge [sflag:s23], s21  }
0xa1: {  	s6 =	ssub.s32 $0x0, s21;
	[sflag:s23] =	ssyncset.done $0x0  }
0xa2: {  	[sflag:s23] =	ssyncadd.s32 s6;
	_ =	sdelay $0x1  }
0xa3: {  	s24 =	simm.s32 $0x1B8B  }
0xa4: {  	_ =	swait.ge [sflag:s24], $0x1  }
0xa5: {  	[sflag:s24] =	ssyncset.done $0x0  }
0xa6: {  	s25 =	simm.s32 $0x1B8E;
	[sflag:s24] =	ssyncadd.s32 $0xFFFFFFFF  }
0xa7: {  	s26 =	simm.s32 $execute0_lowered;
	[smem:$0x3FD2] =	sst s25  }
0xa8: {  	s6 =	sshll.u32 s26, $0x1;
	_ =	strace $0x80000046;
	[dreg:$0x1] =	wrdreg $0xFFFFFFFF  }
0xa9: {  	s28 =	simm.s32 $_size_execute0_lowered;
	s5 =	sadd.s32 s5, s6;
	[dreg:$0x0] =	wrdreg $0x0  }
0xaa: {  	s6 =	sshll.u32 s28, $0x1;
	[dreg:$0x2] =	wrdreg s5  }
0xab: {  	[dreg:$0x3] =	wrdreg s6  }
0xac: {  	[dreg:$0x4] =	wrdreg $0xC0  }
0xad: {  	_ =	task [dreg:s9], $0x5FFFF  }
0xae: {  	[dreg:$0x1] =	wrdreg $0xFFFFFFFF  }
0xaf: {  	[dreg:$0x0] =	wrdreg $0x60  }
0xb0: {  	[dreg:$0x2] =	wrdreg s19  }
0xb1: {  	[dreg:$0x3] =	wrdreg s2  }
0xb2: {  	[dreg:$0x4] =	wrdreg s4  }
0xb3: {  	[dreg:$0x5] =	wrdreg $0x9  }
0xb4: {  	_ =	task.clear_ibuf [dreg:s9], $0x6FFFF;
	_ =	strace $0x90000046  }
0xb5: {  	s29 =	simm.s32 $0x9;
	_ =	strace $0x80000048  }
0xb6: {  	_ =	swait.ge [sflag:s29], $0x1  }
0xb7: {  	[sflag:s29] =	ssyncadd.s32 $0xFFFFFFFF  }
0xb8: {  	_ =	strace $0x90000048  }
0xb9: {  	_ =	sfence  }
0xba: {  	s30 =	sld [smem:$0x0];
	_ =	sdelay $0x2  }
0xbb: {  	s31 =	sshll.u32 s1, $0xD;
	s1 =	sshrl.u32 s1, $0x2  }
0xbc: {  	s3 =	sand.u32 $0x4000, s31;
	s1 =	sadd.s32 s1, s30  }
0xbd: {  	s0 =	sor.u32 s3, s0;
	s1 =	sshll.u32 s1, $0x11  }
0xbe: {  	s0 =	sor.u32 s1, s0  }
0xbf: {  	s0 =	sadd.s32 $0x8F2B, s0  }
0xc0: {  	[sflag:s0] =	ssyncadd.remote.s32 $0x1  }
0xc1: {  	_ =	sfence.sel $0xFFFF  }
0xc2: {  	[dreg:$0x0] =	wrdreg $0xFFFFFFFF;
	(pc) =	sbr.abs _section_cstart, $3  }
0xc3: {  	[dreg:$0x1] =	wrdreg $0xFFFFFFFF  }
0xc4: {  	_ =	task.clear_ibuf [dreg:s9], $0x2FFFF;
	_ =	strace $0x9FFFFFFF  }
0xc5: {  	(tm) =	ssettm $0x7FFFFFFF  }
tec
execute0_lowered:
.L_overlay_start_1:
0x0: {  	(tag) =	ssettag $0x1  }
0x1: {  	s1 =	rddreg [dreg:$0x0]  }
0x2: {  	s0 =	rddreg [dreg:$0x1]  }
0x3: {  	s2 =	rddreg [dreg:$0x2];
	s3 =	simm.s32 $0x0;
	s10 =	stileid.u32  }
0x4: {  	s4 =	srdreg.scid;
	s12 =	simm.s32 $0x9400;
	s13 =	simm.s32 $0x9C00  }
0x5: {  	s16 =	simm.s32 $0xA400;
	s17 =	simm.s32 $0xAC00;
	s18 =	simm.s32 $0xB400  }
0x6: {  	s19 =	simm.s32 $0xBC00;
	s20 =	simm.s32 $0xC400;
	s21 =	simm.s32 $0xCC00  }
0x7: {  	s22 =	simm.s32 $0xD400;
	s28 =	simm.s32 $0xFC00;
	s29 =	simm.s32 $0x10400  }
0x8: {  	s14 =	simm.s32 $0x1;
	s30 =	simm.s32 $0x2;
	[smem:$0x7FF] =	sst s3  }
0x9: {  	s5 =	sshll.u32 s10, $0x1;
	s4 =	sand.u32 $0x1, s4;
	s8 =	sshrl.u32 s10, $0x2  }
0xa: {  	s23 =	sand.u32 $0x3, s10;
	_ =	strace $0x80000047;
	s5 =	sand.u32 $0x6, s5  }
0xb: {  	s6 =	ssub.s32 $0x2, s4;
	s7 =	sshll.u32 s8, $0x4;
	s24 =	sshll.u32 s8, $0x14  }
0xc: {  	s8 =	sshll.u32 s8, $0x17;
	s11 =	sshll.u32 s23, $0x15;
	s25 =	sshll.u32 s4, $0x14  }
0xd: {  	s5 =	sor.u32 s4, s5;
	s9 =	sshrl.u32 s6, $0x1;
	s0 =	sadd.s32 s0, s7  }
0xe: {  	s7 =	sadd.s32 $0x300, s1;
	s8 =	sor.u32 s11, s8;
	s10 =	sadd.s32 s24, s2  }
0xf: {  	s4 =	sshll.u32 s4, $0x11;
	s24 =	simm.s32 $0xE400;
	s5 =	sshll.u32 s5, $0x9  }
0x10: {  	s9 =	ssub.s32 s6, s9;
	s6 =	sadd.s32 $0x200, s1;
	s0 =	sadd.s32 s5, s0  }
0x11: {  	s8 =	sor.u32 s25, s8;
	s9 =	smax.u32 s9, $0x1;
	[dreg:$0x4] =	wrdreg s0  }
0x12: {  	s25 =	simm.s32 $0xEC00;
	s5 =	sadd.s32 $0x100, s1;
	[dreg:$0x5] =	wrdreg s9  }
0x13: {  	s0 =	sshll.u32 s23, $0x12;
	s9 =	sor.u32 $0x8000, s8;
	s8 =	sor.u32 $0x10000, s8  }
.Ltmp0:
0x14: {  	s23 =	simm.s32 $0xDC00;
	s0 =	sadd.s32 s0, s10;
	(pc) =	sbr.rel .LBB2_1-.Ltmp0, $4  }
0x15: {  	s9 =	sshrl.u32 s9, $0x3;
	s8 =	sshrl.u32 s8, $0x3;
	s0 =	sadd.s32 s4, s0  }
0x16: {  	v2 =	vlaneseq.u32;
	s26 =	sadd.s32 s9, s2;
	s31 =	sadd.s32 s8, s2;
	[dreg:$0x6] =	wrdreg s0  }
0x17: {  	vm0 =	vmmov $0xffff;
	v1 =	vshrl.u32 v2, $0x3;
	s2 =	simm.s32 $0x8C00;
	s8 =	simm.s32 $0x0;
	[dreg:$0x7] =	wrdreg s26  }
0x18: {  	v0 =	vand.u32 $0x7, v2;
	v2 =	vor.u32 $0x8, v2;
	v1 =	vmul.u32 $0x8, v1;
	[dreg:$0x8] =	wrdreg s31;
	s0 =	simm.s32 $0x8400;
	s26 =	simm.s32 $0xF400  }
.LBB2_8:
0x19: {  	_ =	swait.ge [sflag:s30], $0x8000  }
0x1a: {  	[sflag:s30] =	ssyncset.done $0x0  }
0x1b: {  	[sflag:s30] =	ssyncadd.s32 $0xFFFF8000  }
0x1c: {  	_ =	swait.ge [sflag:s30], $0x8000  }
0x1d: {  	s8 =	rddreg [dreg:$0x9]  }
0x1e: {  	s4 =	rddreg [dreg:$0x5];
	s8 =	sadd.s32 $0x1, s8  }
0x1f: {  	p0 =	sne.s32 s8, s4  }
.Ltmp1:
0x20: {  	_ = 	snop;
	(pc) =	sbr.rel @!p0 .LBB2_9-.Ltmp1, $3  }
0x21: {  	_ =	sdelay $0x1  }
0x22: {  	[sflag:s30] =	ssyncset.done $0x0  }
0x23: {  	[sflag:s30] =	ssyncadd.s32 $0xFFFF8000  }
.LBB2_1:
0x24: {  	[dreg:$0x9] =	wrdreg s8  }
0x25: {  	s4 =	rddreg [dreg:$0x4]  }
0x26: {  	s10 =	simm.s32 $0x80;
	s9 =	simm.s32 $0x200;
	s11 =	simm.s32 $0x3  }
0x27: {  	[tilespmem:s3], [sflag:$0x3] =	stream.strided.gather [hbm4b:s4+s10], $0x400, s9, s10, $0x38;
	[tilespmem:$0x18400] =	vst v63  }
0x28: {  	_ =	swait.ge [sflag:s11], $0x400  }
0x29: {  	[sflag:s11] =	ssyncset.done $0x0  }
0x2a: {  	[sflag:s11] =	ssyncadd.s32 $0xFFFFFC00  }
0x2b: {  	v3 =	vld [tilespmem:$0x0];
	_ =	sdelay $0x4  }
0x2c: {  	v4 =	vshll.u32 v3, $0x3  }
0x2d: {  	v3 =	vand.u32 $0x7, v3;
	v4 =	vand.u32 $0xFFFFFFC0, v4  }
0x2e: {  	v3 =	vor.u32 v3, v4  }
0x2f: {  	v4 =	vperm.xlane v3, v0;
	_ =	sdelay $0x1  }
0x30: {  	v4 =	vadd.s32 v1, v4;
	_ =	sdelay $0x3  }
0x31: {  	s15 =	simm.s32 $0x400  }
0x32: {  	[tilespmem:s15], [sflag:$0x1] =	stream.indirect_vreg.gather [hbm4b:s1+s3], $0x80, v4, vm0, $0xb8;
	[tilespmem:$0x18400] =	vst v63  }
0x33: {  	s8 =	simm.s32 $0xC00;
	v3 =	vperm.xlane v3, v2  }
0x34: {  	[tilespmem:s8], [sflag:$0x1] =	stream.indirect_vreg.gather [hbm4b:s5+s3], $0x80, v4, vm0, $0xb8;
	[tilespmem:$0x18400] =	vst v63  }
0x35: {  	s9 =	simm.s32 $0x1400;
	v3 =	vadd.s32 v1, v3  }
0x36: {  	[tilespmem:s9], [sflag:$0x1] =	stream.indirect_vreg.gather [hbm4b:s6+s3], $0x80, v4, vm0, $0xb8;
	[tilespmem:$0x18400] =	vst v63  }
0x37: {  	s10 =	simm.s32 $0x1C00  }
0x38: {  	[tilespmem:s10], [sflag:$0x1] =	stream.indirect_vreg.gather [hbm4b:s7+s3], $0x80, v4, vm0, $0xb8;
	[tilespmem:$0x18400] =	vst v63  }
0x39: {  	s11 =	simm.s32 $0x2400  }
0x3a: {  	[tilespmem:s11], [sflag:$0x1] =	stream.indirect_vreg.gather [hbm4b:s1+s3], $0x80, v3, vm0, $0xb8;
	[tilespmem:$0x18400] =	vst v63  }
0x3b: {  	s15 =	simm.s32 $0x2C00  }
0x3c: {  	[tilespmem:s15], [sflag:$0x1] =	stream.indirect_vreg.gather [hbm4b:s5+s3], $0x80, v3, vm0, $0xb8;
	[tilespmem:$0x18400] =	vst v63  }
0x3d: {  	s8 =	simm.s32 $0x3400  }
0x3e: {  	[tilespmem:s8], [sflag:$0x1] =	stream.indirect_vreg.gather [hbm4b:s6+s3], $0x80, v3, vm0, $0xb8;
	[tilespmem:$0x18400] =	vst v63  }
0x3f: {  	s9 =	simm.s32 $0x3C00  }
0x40: {  	[tilespmem:s9], [sflag:$0x1] =	stream.indirect_vreg.gather [hbm4b:s7+s3], $0x80, v3, vm0, $0xb8;
	[tilespmem:$0x18400] =	vst v63  }
0x41: {  	v3 =	vld [tilespmem:$0x10];
	_ =	sdelay $0x4  }
0x42: {  	v61 =	vshll.u32 v3, $0x3  }
0x43: {  	v3 =	vand.u32 $0x7, v3;
	v4 =	vand.u32 $0xFFFFFFC0, v61  }
0x44: {  	v3 =	vor.u32 v3, v4  }
0x45: {  	v4 =	vperm.xlane v3, v0;
	_ =	sdelay $0x1  }
0x46: {  	v4 =	vadd.s32 v1, v4;
	_ =	sdelay $0x3  }
0x47: {  	s10 =	simm.s32 $0x4400  }
0x48: {  	[tilespmem:s10], [sflag:$0x1] =	stream.indirect_vreg.gather [hbm4b:s1+s3], $0x80, v4, vm0, $0xb8;
	[tilespmem:$0x18400] =	vst v63  }
0x49: {  	s11 =	simm.s32 $0x4C00;
	v3 =	vperm.xlane v3, v2  }
0x4a: {  	[tilespmem:s11], [sflag:$0x1] =	stream.indirect_vreg.gather [hbm4b:s5+s3], $0x80, v4, vm0, $0xb8;
	[tilespmem:$0x18400] =	vst v63  }
0x4b: {  	s15 =	simm.s32 $0x5400;
	v3 =	vadd.s32 v1, v3  }
0x4c: {  	[tilespmem:s15], [sflag:$0x1] =	stream.indirect_vreg.gather [hbm4b:s6+s3], $0x80, v4, vm0, $0xb8;
	[tilespmem:$0x18400] =	vst v63  }
0x4d: {  	s8 =	simm.s32 $0x5C00  }
0x4e: {  	[tilespmem:s8], [sflag:$0x1] =	stream.indirect_vreg.gather [hbm4b:s7+s3], $0x80, v4, vm0, $0xb8;
	[tilespmem:$0x18400] =	vst v63  }
0x4f: {  	s9 =	simm.s32 $0x6400  }
0x50: {  	[tilespmem:s9], [sflag:$0x1] =	stream.indirect_vreg.gather [hbm4b:s1+s3], $0x80, v3, vm0, $0xb8;
	[tilespmem:$0x18400] =	vst v63  }
0x51: {  	s10 =	simm.s32 $0x6C00  }
0x52: {  	[tilespmem:s10], [sflag:$0x1] =	stream.indirect_vreg.gather [hbm4b:s5+s3], $0x80, v3, vm0, $0xb8;
	[tilespmem:$0x18400] =	vst v63  }
0x53: {  	s11 =	simm.s32 $0x7400  }
0x54: {  	[tilespmem:s11], [sflag:$0x1] =	stream.indirect_vreg.gather [hbm4b:s6+s3], $0x80, v3, vm0, $0xb8;
	[tilespmem:$0x18400] =	vst v63  }
0x55: {  	s15 =	simm.s32 $0x7C00  }
0x56: {  	[tilespmem:s15], [sflag:$0x1] =	stream.indirect_vreg.gather [hbm4b:s7+s3], $0x80, v3, vm0, $0xb8;
	[tilespmem:$0x18400] =	vst v63  }
0x57: {  	v3 =	vld [tilespmem:$0x20];
	_ =	sdelay $0x4  }
0x58: {  	v62 =	vshll.u32 v3, $0x3  }
0x59: {  	v3 =	vand.u32 $0x7, v3;
	v4 =	vand.u32 $0xFFFFFFC0, v62  }
0x5a: {  	v3 =	vor.u32 v3, v4  }
0x5b: {  	v4 =	vperm.xlane v3, v0;
	_ =	sdelay $0x1  }
0x5c: {  	v4 =	vadd.s32 v1, v4;
	_ =	sdelay $0x4  }
0x5d: {  	[tilespmem:s0], [sflag:$0x1] =	stream.indirect_vreg.gather [hbm4b:s1+s3], $0x80, v4, vm0, $0xb8;
	[tilespmem:$0x18400] =	vst v63  }
0x5e: {  	v3 =	vperm.xlane v3, v2  }
0x5f: {  	[tilespmem:s2], [sflag:$0x1] =	stream.indirect_vreg.gather [hbm4b:s5+s3], $0x80, v4, vm0, $0xb8;
	[tilespmem:$0x18400] =	vst v63  }
0x60: {  	v3 =	vadd.s32 v1, v3  }
0x61: {  	[tilespmem:s12], [sflag:$0x1] =	stream.indirect_vreg.gather [hbm4b:s6+s3], $0x80, v4, vm0, $0xb8;
	[tilespmem:$0x18400] =	vst v63  }
0x62: {  	_ = 	snop  }
0x63: {  	[tilespmem:s13], [sflag:$0x1] =	stream.indirect_vreg.gather [hbm4b:s7+s3], $0x80, v4, vm0, $0xb8;
	[tilespmem:$0x18400] =	vst v63  }
0x64: {  	_ = 	snop  }
0x65: {  	[tilespmem:s16], [sflag:$0x1] =	stream.indirect_vreg.gather [hbm4b:s1+s3], $0x80, v3, vm0, $0xb8;
	[tilespmem:$0x18400] =	vst v63  }
0x66: {  	_ = 	snop  }
0x67: {  	[tilespmem:s17], [sflag:$0x1] =	stream.indirect_vreg.gather [hbm4b:s5+s3], $0x80, v3, vm0, $0xb8;
	[tilespmem:$0x18400] =	vst v63  }
0x68: {  	_ = 	snop  }
0x69: {  	[tilespmem:s18], [sflag:$0x1] =	stream.indirect_vreg.gather [hbm4b:s6+s3], $0x80, v3, vm0, $0xb8;
	[tilespmem:$0x18400] =	vst v63  }
0x6a: {  	_ = 	snop  }
0x6b: {  	[tilespmem:s19], [sflag:$0x1] =	stream.indirect_vreg.gather [hbm4b:s7+s3], $0x80, v3, vm0, $0xb8;
	[tilespmem:$0x18400] =	vst v63  }
0x6c: {  	v3 =	vld [tilespmem:$0x30];
	_ =	sdelay $0x4  }
0x6d: {  	v63 =	vshll.u32 v3, $0x3  }
0x6e: {  	v3 =	vand.u32 $0x7, v3;
	v4 =	vand.u32 $0xFFFFFFC0, v63  }
0x6f: {  	v3 =	vor.u32 v3, v4  }
0x70: {  	v4 =	vperm.xlane v3, v0;
	_ =	sdelay $0x1  }
0x71: {  	v4 =	vadd.s32 v1, v4;
	_ =	sdelay $0x4  }
0x72: {  	[tilespmem:s20], [sflag:$0x1] =	stream.indirect_vreg.gather [hbm4b:s1+s3], $0x80, v4, vm0, $0xb8;
	[tilespmem:$0x18400] =	vst v63  }
0x73: {  	v3 =	vperm.xlane v3, v2  }
0x74: {  	[tilespmem:s21], [sflag:$0x1] =	stream.indirect_vreg.gather [hbm4b:s5+s3], $0x80, v4, vm0, $0xb8;
	[tilespmem:$0x18400] =	vst v63  }
0x75: {  	v3 =	vadd.s32 v1, v3  }
0x76: {  	[tilespmem:s22], [sflag:$0x1] =	stream.indirect_vreg.gather [hbm4b:s6+s3], $0x80, v4, vm0, $0xb8;
	[tilespmem:$0x18400] =	vst v63  }
0x77: {  	_ = 	snop  }
0x78: {  	[tilespmem:s23], [sflag:$0x1] =	stream.indirect_vreg.gather [hbm4b:s7+s3], $0x80, v4, vm0, $0xb8;
	[tilespmem:$0x18400] =	vst v63  }
0x79: {  	_ = 	snop  }
0x7a: {  	[tilespmem:s24], [sflag:$0x1] =	stream.indirect_vreg.gather [hbm4b:s1+s3], $0x80, v3, vm0, $0xb8;
	[tilespmem:$0x18400] =	vst v63  }
0x7b: {  	s4 =	rddreg [dreg:$0x8]  }
0x7c: {  	[tilespmem:s25], [sflag:$0x1] =	stream.indirect_vreg.gather [hbm4b:s5+s3], $0x80, v3, vm0, $0xb8;
	[tilespmem:$0x18400] =	vst v63  }
0x7d: {  	s8 =	rddreg [dreg:$0x7]  }
0x7e: {  	[tilespmem:s26], [sflag:$0x1] =	stream.indirect_vreg.gather [hbm4b:s6+s3], $0x80, v3, vm0, $0xb8;
	[tilespmem:$0x18400] =	vst v63  }
0x7f: {  	s31 =	simm.s32 $0x50;
	s9 =	rddreg [dreg:$0x6];
	s10 =	simm.s32 $0x0  }
0x80: {  	[tilespmem:s28], [sflag:$0x1] =	stream.indirect_vreg.gather [hbm4b:s7+s3], $0x80, v3, vm0, $0xb8;
	[tilespmem:$0x18400] =	vst v63  }
.LBB2_2:
0x81: {  	p0 =	seq.s32 s10, $0x0  }
.Ltmp2:
0x82: {  	_ = 	snop;
	(pc) =	sbr.rel @p0 .LBB2_5-.Ltmp2, $1  }
0x83: {  	_ =	sdelay $0x3  }
0x84: {  	p0 =	seq.s32 s10, $0xA  }
.Ltmp3:
0x85: {  	_ = 	snop;
	(pc) =	sbr.rel @p0 .LBB2_6-.Ltmp3, $1  }
0x86: {  	_ =	sdelay $0x3  }
0x87: {  	_ =	swait.ge [sflag:s30], $0x8000  }
0x88: {  	[sflag:s30] =	ssyncset.done $0x0  }
0x89: {  	[sflag:s30] =	ssyncadd.s32 $0xFFFF8000  }
.LBB2_5:
0x8a: {  	v3 =	vld [tilespmem:s31+$0xFFFFFFF0];
	_ =	sdelay $0x4  }
0x8b: {  	v4 =	vshll.u32 v3, $0x3  }
0x8c: {  	v3 =	vand.u32 $0x7, v3;
	v4 =	vand.u32 $0xFFFFFFC0, v4  }
0x8d: {  	v3 =	vor.u32 v3, v4  }
0x8e: {  	v4 =	vperm.xlane v3, v0;
	_ =	sdelay $0x1  }
0x8f: {  	v4 =	vadd.s32 v1, v4;
	_ =	sdelay $0x4  }
0x90: {  	[tilespmem:s29], [sflag:$0x1] =	stream.indirect_vreg.gather [hbm4b:s1+s3], $0x80, v4, vm0, $0xb8;
	[tilespmem:$0x18400] =	vst v63  }
0x91: {  	s11 =	simm.s32 $0x10C00;
	v3 =	vperm.xlane v3, v2  }
0x92: {  	[tilespmem:s11], [sflag:$0x1] =	stream.indirect_vreg.gather [hbm4b:s5+s3], $0x80, v4, vm0, $0xb8;
	[tilespmem:$0x18400] =	vst v63  }
0x93: {  	s15 =	simm.s32 $0x11400;
	v3 =	vadd.s32 v1, v3  }
0x94: {  	[tilespmem:s15], [sflag:$0x1] =	stream.indirect_vreg.gather [hbm4b:s6+s3], $0x80, v4, vm0, $0xb8;
	[tilespmem:$0x18400] =	vst v63  }
0x95: {  	s15 =	simm.s32 $0x11C00  }
0x96: {  	[tilespmem:s15], [sflag:$0x1] =	stream.indirect_vreg.gather [hbm4b:s7+s3], $0x80, v4, vm0, $0xb8;
	[tilespmem:$0x18400] =	vst v63  }
0x97: {  	s15 =	simm.s32 $0x12400  }
0x98: {  	[tilespmem:s15], [sflag:$0x1] =	stream.indirect_vreg.gather [hbm4b:s1+s3], $0x80, v3, vm0, $0xb8;
	[tilespmem:$0x18400] =	vst v63  }
0x99: {  	s15 =	simm.s32 $0x12C00  }
0x9a: {  	[tilespmem:s15], [sflag:$0x1] =	stream.indirect_vreg.gather [hbm4b:s5+s3], $0x80, v3, vm0, $0xb8;
	[tilespmem:$0x18400] =	vst v63  }
0x9b: {  	s15 =	simm.s32 $0x13400  }
0x9c: {  	[tilespmem:s15], [sflag:$0x1] =	stream.indirect_vreg.gather [hbm4b:s6+s3], $0x80, v3, vm0, $0xb8;
	[tilespmem:$0x18400] =	vst v63  }
0x9d: {  	s15 =	simm.s32 $0x13C00  }
0x9e: {  	[tilespmem:s15], [sflag:$0x1] =	stream.indirect_vreg.gather [hbm4b:s7+s3], $0x80, v3, vm0, $0xb8;
	[tilespmem:$0x18400] =	vst v63  }
0x9f: {  	v3 =	vld [tilespmem:s31+$0x0];
	_ =	sdelay $0x4  }
0xa0: {  	v63 =	vshll.u32 v3, $0x3  }
0xa1: {  	v3 =	vand.u32 $0x7, v3;
	v4 =	vand.u32 $0xFFFFFFC0, v63  }
0xa2: {  	v3 =	vor.u32 v3, v4  }
0xa3: {  	v4 =	vperm.xlane v3, v0;
	_ =	sdelay $0x1  }
0xa4: {  	v4 =	vadd.s32 v1, v4;
	_ =	sdelay $0x3  }
0xa5: {  	s15 =	simm.s32 $0x14400  }
0xa6: {  	[tilespmem:s15], [sflag:$0x1] =	stream.indirect_vreg.gather [hbm4b:s1+s3], $0x80, v4, vm0, $0xb8;
	[tilespmem:$0x18400] =	vst v63  }
0xa7: {  	v3 =	vperm.xlane v3, v2;
	s15 =	simm.s32 $0x14C00  }
0xa8: {  	[tilespmem:s15], [sflag:$0x1] =	stream.indirect_vreg.gather [hbm4b:s5+s3], $0x80, v4, vm0, $0xb8;
	[tilespmem:$0x18400] =	vst v63  }
0xa9: {  	v3 =	vadd.s32 v1, v3;
	s15 =	simm.s32 $0x15400  }
0xaa: {  	[tilespmem:s15], [sflag:$0x1] =	stream.indirect_vreg.gather [hbm4b:s6+s3], $0x80, v4, vm0, $0xb8;
	[tilespmem:$0x18400] =	vst v63  }
0xab: {  	s15 =	simm.s32 $0x15C00  }
0xac: {  	[tilespmem:s15], [sflag:$0x1] =	stream.indirect_vreg.gather [hbm4b:s7+s3], $0x80, v4, vm0, $0xb8;
	[tilespmem:$0x18400] =	vst v63  }
0xad: {  	s15 =	simm.s32 $0x16400  }
0xae: {  	[tilespmem:s15], [sflag:$0x1] =	stream.indirect_vreg.gather [hbm4b:s1+s3], $0x80, v3, vm0, $0xb8;
	[tilespmem:$0x18400] =	vst v63  }
0xaf: {  	s15 =	simm.s32 $0x16C00  }
0xb0: {  	[tilespmem:s15], [sflag:$0x1] =	stream.indirect_vreg.gather [hbm4b:s5+s3], $0x80, v3, vm0, $0xb8;
	[tilespmem:$0x18400] =	vst v63  }
0xb1: {  	s15 =	simm.s32 $0x17400  }
0xb2: {  	[tilespmem:s15], [sflag:$0x1] =	stream.indirect_vreg.gather [hbm4b:s6+s3], $0x80, v3, vm0, $0xb8;
	[tilespmem:$0x18400] =	vst v63  }
0xb3: {  	s15 =	simm.s32 $0x17C00  }
0xb4: {  	[tilespmem:s15], [sflag:$0x1] =	stream.indirect_vreg.gather [hbm4b:s7+s3], $0x80, v3, vm0, $0xb8;
	[tilespmem:$0x18400] =	vst v63  }
.LBB2_6:
0xb5: {  	_ =	swait.ge [sflag:s14], $0x8000  }
0xb6: {  	[sflag:s14] =	ssyncset.done $0x0  }
0xb7: {  	s11 =	simm.s32 $0x400;
	p0 =	seq.s32 s10, $0xA;
	[sflag:s14] =	ssyncadd.s32 $0xFFFF8000  }
0xb8: {  	[hbm4b:s9+s3] =	stream.linear.scatter [tilespmem:s11], [sflag:$0x2], $0x8000, $0x38;
	[tilespmem:$0x18400] =	vst v63  }
0xb9: {  	s11 =	simm.s32 @!p0 $0x2  }
0xba: {  	_ =	swait.ge @!p0 [sflag:s11], $0x8000  }
0xbb: {  	[sflag:s11] =	ssyncset.done @!p0 $0x0  }
0xbc: {  	[sflag:s11] =	ssyncadd.s32 @!p0 $0xFFFF8000  }
0xbd: {  	v3 =	vld @!p0 [tilespmem:s31+$0x10];
	_ =	sdelay $0x4  }
0xbe: {  	v4 =	vshll.u32 @!p0 v3, $0x3  }
0xbf: {  	v5 =	vlaneseq.u32 @!p0;
	v3 =	vand.u32 @!p0 $0x7, v3;
	v4 =	vand.u32 @!p0 $0xFFFFFFC0, v4  }
0xc0: {  	v6 =	vshrl.u32 @!p0 v5, $0x3;
	v3 =	vor.u32 @!p0 v3, v4;
	v4 =	vand.u32 @!p0 $0x7, v5  }
0xc1: {  	v6 =	vmul.u32 @!p0 $0x8, v6;
	v7 =	vperm.xlane @!p0 v3, v4;
	_ =	sdelay $0x1  }
0xc2: {  	v7 =	vadd.s32 @!p0 v6, v7;
	_ =	sdelay $0x3  }
0xc3: {  	vm1 =	vmmov @!p0 $0xffff;
	s15 =	simm.s32 @!p0 $0x400;
	s11 =	simm.s32 @!p0 $0x0  }
0xc4: {  	v5 =	vor.u32 @!p0 $0x8, v5;
	[tilespmem:s15], [sflag:$0x1] =	stream.indirect_vreg.gather @!p0 [hbm4b:s1+s11], $0x80, v7, vm1, $0xb8;
	[tilespmem:$0x18400] =	vst v63  }
0xc5: {  	v3 =	vperm.xlane @!p0 v3, v5;
	s15 =	simm.s32 @!p0 $0xC00  }
0xc6: {  	[tilespmem:s15], [sflag:$0x1] =	stream.indirect_vreg.gather @!p0 [hbm4b:s5+s11], $0x80, v7, vm1, $0xb8;
	[tilespmem:$0x18400] =	vst v63  }
0xc7: {  	v3 =	vadd.s32 @!p0 v6, v3;
	s15 =	simm.s32 @!p0 $0x1400  }
0xc8: {  	[tilespmem:s15], [sflag:$0x1] =	stream.indirect_vreg.gather @!p0 [hbm4b:s6+s11], $0x80, v7, vm1, $0xb8;
	[tilespmem:$0x18400] =	vst v63  }
0xc9: {  	s15 =	simm.s32 @!p0 $0x1C00  }
0xca: {  	[tilespmem:s15], [sflag:$0x1] =	stream.indirect_vreg.gather @!p0 [hbm4b:s7+s11], $0x80, v7, vm1, $0xb8;
	[tilespmem:$0x18400] =	vst v63  }
0xcb: {  	s15 =	simm.s32 @!p0 $0x2400  }
0xcc: {  	[tilespmem:s15], [sflag:$0x1] =	stream.indirect_vreg.gather @!p0 [hbm4b:s1+s11], $0x80, v3, vm1, $0xb8;
	[tilespmem:$0x18400] =	vst v63  }
0xcd: {  	s15 =	simm.s32 @!p0 $0x2C00  }
0xce: {  	[tilespmem:s15], [sflag:$0x1] =	stream.indirect_vreg.gather @!p0 [hbm4b:s5+s11], $0x80, v3, vm1, $0xb8;
	[tilespmem:$0x18400] =	vst v63  }
0xcf: {  	s15 =	simm.s32 @!p0 $0x3400  }
0xd0: {  	[tilespmem:s15], [sflag:$0x1] =	stream.indirect_vreg.gather @!p0 [hbm4b:s6+s11], $0x80, v3, vm1, $0xb8;
	[tilespmem:$0x18400] =	vst v63  }
0xd1: {  	s15 =	simm.s32 @!p0 $0x3C00  }
0xd2: {  	[tilespmem:s15], [sflag:$0x1] =	stream.indirect_vreg.gather @!p0 [hbm4b:s7+s11], $0x80, v3, vm1, $0xb8;
	[tilespmem:$0x18400] =	vst v63  }
0xd3: {  	v3 =	vld @!p0 [tilespmem:s31+$0x20];
	_ =	sdelay $0x4  }
0xd4: {  	v7 =	vshll.u32 @!p0 v3, $0x3  }
0xd5: {  	v3 =	vand.u32 @!p0 $0x7, v3;
	v7 =	vand.u32 @!p0 $0xFFFFFFC0, v7  }
0xd6: {  	v3 =	vor.u32 @!p0 v3, v7  }
0xd7: {  	v4 =	vperm.xlane @!p0 v3, v4;
	_ =	sdelay $0x1  }
0xd8: {  	v4 =	vadd.s32 @!p0 v6, v4;
	_ =	sdelay $0x3  }
0xd9: {  	s15 =	simm.s32 @!p0 $0x4400  }
0xda: {  	[tilespmem:s15], [sflag:$0x1] =	stream.indirect_vreg.gather @!p0 [hbm4b:s1+s11], $0x80, v4, vm1, $0xb8;
	[tilespmem:$0x18400] =	vst v63  }
0xdb: {  	v3 =	vperm.xlane @!p0 v3, v5;
	s15 =	simm.s32 @!p0 $0x4C00  }
0xdc: {  	[tilespmem:s15], [sflag:$0x1] =	stream.indirect_vreg.gather @!p0 [hbm4b:s5+s11], $0x80, v4, vm1, $0xb8;
	[tilespmem:$0x18400] =	vst v63  }
0xdd: {  	v3 =	vadd.s32 @!p0 v6, v3;
	s15 =	simm.s32 @!p0 $0x5400  }
0xde: {  	[tilespmem:s15], [sflag:$0x1] =	stream.indirect_vreg.gather @!p0 [hbm4b:s6+s11], $0x80, v4, vm1, $0xb8;
	[tilespmem:$0x18400] =	vst v63  }
0xdf: {  	s15 =	simm.s32 @!p0 $0x5C00  }
0xe0: {  	[tilespmem:s15], [sflag:$0x1] =	stream.indirect_vreg.gather @!p0 [hbm4b:s7+s11], $0x80, v4, vm1, $0xb8;
	[tilespmem:$0x18400] =	vst v63  }
0xe1: {  	s15 =	simm.s32 @!p0 $0x6400  }
0xe2: {  	[tilespmem:s15], [sflag:$0x1] =	stream.indirect_vreg.gather @!p0 [hbm4b:s1+s11], $0x80, v3, vm1, $0xb8;
	[tilespmem:$0x18400] =	vst v63  }
0xe3: {  	s15 =	simm.s32 @!p0 $0x6C00  }
0xe4: {  	[tilespmem:s15], [sflag:$0x1] =	stream.indirect_vreg.gather @!p0 [hbm4b:s5+s11], $0x80, v3, vm1, $0xb8;
	[tilespmem:$0x18400] =	vst v63  }
0xe5: {  	s15 =	simm.s32 @!p0 $0x7400  }
0xe6: {  	[tilespmem:s15], [sflag:$0x1] =	stream.indirect_vreg.gather @!p0 [hbm4b:s6+s11], $0x80, v3, vm1, $0xb8;
	[tilespmem:$0x18400] =	vst v63  }
0xe7: {  	s15 =	simm.s32 @!p0 $0x7C00  }
0xe8: {  	[tilespmem:s15], [sflag:$0x1] =	stream.indirect_vreg.gather @!p0 [hbm4b:s7+s11], $0x80, v3, vm1, $0xb8;
	[tilespmem:$0x18400] =	vst v63  }
0xe9: {  	_ =	swait.ge [sflag:s14], $0x8000  }
0xea: {  	[sflag:s14] =	ssyncset.done $0x0  }
.Ltmp4:
0xeb: {  	[sflag:s14] =	ssyncadd.s32 $0xFFFF8000;
	(pc) =	sbr.rel @p0 .LBB2_8-.Ltmp4, $4  }
0xec: {  	[hbm4b:s8+s3] =	stream.linear.scatter [tilespmem:s0], [sflag:$0x2], $0x8000, $0x38;
	[tilespmem:$0x18400] =	vst v63  }
0xed: {  	_ =	swait.ge [sflag:s30], $0x8000  }
0xee: {  	[sflag:s30] =	ssyncset.done $0x0  }
0xef: {  	[sflag:s30] =	ssyncadd.s32 $0xFFFF8000  }
0xf0: {  	v3 =	vld [tilespmem:s31+$0x30];
	_ =	sdelay $0x4  }
0xf1: {  	v4 =	vshll.u32 v3, $0x3  }
0xf2: {  	v3 =	vand.u32 $0x7, v3;
	v4 =	vand.u32 $0xFFFFFFC0, v4  }
0xf3: {  	v3 =	vor.u32 v3, v4  }
0xf4: {  	v4 =	vperm.xlane v3, v0;
	_ =	sdelay $0x1  }
0xf5: {  	v4 =	vadd.s32 v1, v4;
	_ =	sdelay $0x4  }
0xf6: {  	[tilespmem:s0], [sflag:$0x1] =	stream.indirect_vreg.gather [hbm4b:s1+s3], $0x80, v4, vm0, $0xb8;
	[tilespmem:$0x18400] =	vst v63  }
0xf7: {  	v3 =	vperm.xlane v3, v2  }
0xf8: {  	[tilespmem:s2], [sflag:$0x1] =	stream.indirect_vreg.gather [hbm4b:s5+s3], $0x80, v4, vm0, $0xb8;
	[tilespmem:$0x18400] =	vst v63  }
0xf9: {  	v3 =	vadd.s32 v1, v3  }
0xfa: {  	[tilespmem:s12], [sflag:$0x1] =	stream.indirect_vreg.gather [hbm4b:s6+s3], $0x80, v4, vm0, $0xb8;
	[tilespmem:$0x18400] =	vst v63  }
0xfb: {  	_ = 	snop  }
0xfc: {  	[tilespmem:s13], [sflag:$0x1] =	stream.indirect_vreg.gather [hbm4b:s7+s3], $0x80, v4, vm0, $0xb8;
	[tilespmem:$0x18400] =	vst v63  }
0xfd: {  	_ = 	snop  }
0xfe: {  	[tilespmem:s16], [sflag:$0x1] =	stream.indirect_vreg.gather [hbm4b:s1+s3], $0x80, v3, vm0, $0xb8;
	[tilespmem:$0x18400] =	vst v63  }
0xff: {  	_ = 	snop  }
0x100: {  	[tilespmem:s17], [sflag:$0x1] =	stream.indirect_vreg.gather [hbm4b:s5+s3], $0x80, v3, vm0, $0xb8;
	[tilespmem:$0x18400] =	vst v63  }
0x101: {  	_ = 	snop  }
0x102: {  	[tilespmem:s18], [sflag:$0x1] =	stream.indirect_vreg.gather [hbm4b:s6+s3], $0x80, v3, vm0, $0xb8;
	[tilespmem:$0x18400] =	vst v63  }
0x103: {  	_ = 	snop  }
0x104: {  	[tilespmem:s19], [sflag:$0x1] =	stream.indirect_vreg.gather [hbm4b:s7+s3], $0x80, v3, vm0, $0xb8;
	[tilespmem:$0x18400] =	vst v63  }
0x105: {  	v3 =	vld [tilespmem:s31+$0x40];
	_ =	sdelay $0x4  }
0x106: {  	v63 =	vshll.u32 v3, $0x3  }
0x107: {  	v3 =	vand.u32 $0x7, v3;
	v4 =	vand.u32 $0xFFFFFFC0, v63  }
0x108: {  	v3 =	vor.u32 v3, v4  }
0x109: {  	v4 =	vperm.xlane v3, v0;
	_ =	sdelay $0x1  }
0x10a: {  	v4 =	vadd.s32 v1, v4;
	_ =	sdelay $0x4  }
0x10b: {  	[tilespmem:s20], [sflag:$0x1] =	stream.indirect_vreg.gather [hbm4b:s1+s3], $0x80, v4, vm0, $0xb8;
	[tilespmem:$0x18400] =	vst v63  }
0x10c: {  	v3 =	vperm.xlane v3, v2  }
0x10d: {  	[tilespmem:s21], [sflag:$0x1] =	stream.indirect_vreg.gather [hbm4b:s5+s3], $0x80, v4, vm0, $0xb8;
	[tilespmem:$0x18400] =	vst v63  }
0x10e: {  	v3 =	vadd.s32 v1, v3  }
0x10f: {  	[tilespmem:s22], [sflag:$0x1] =	stream.indirect_vreg.gather [hbm4b:s6+s3], $0x80, v4, vm0, $0xb8;
	[tilespmem:$0x18400] =	vst v63  }
0x110: {  	_ = 	snop  }
0x111: {  	[tilespmem:s23], [sflag:$0x1] =	stream.indirect_vreg.gather [hbm4b:s7+s3], $0x80, v4, vm0, $0xb8;
	[tilespmem:$0x18400] =	vst v63  }
0x112: {  	_ = 	snop  }
0x113: {  	[tilespmem:s24], [sflag:$0x1] =	stream.indirect_vreg.gather [hbm4b:s1+s3], $0x80, v3, vm0, $0xb8;
	[tilespmem:$0x18400] =	vst v63  }
0x114: {  	_ = 	snop  }
0x115: {  	[tilespmem:s25], [sflag:$0x1] =	stream.indirect_vreg.gather [hbm4b:s5+s3], $0x80, v3, vm0, $0xb8;
	[tilespmem:$0x18400] =	vst v63  }
0x116: {  	_ = 	snop  }
0x117: {  	[tilespmem:s26], [sflag:$0x1] =	stream.indirect_vreg.gather [hbm4b:s6+s3], $0x80, v3, vm0, $0xb8;
	[tilespmem:$0x18400] =	vst v63  }
0x118: {  	_ = 	snop  }
0x119: {  	[tilespmem:s28], [sflag:$0x1] =	stream.indirect_vreg.gather [hbm4b:s7+s3], $0x80, v3, vm0, $0xb8;
	[tilespmem:$0x18400] =	vst v63  }
.Ltmp5:
0x11a: {  	_ =	swait.ge [sflag:s14], $0x8000;
	(pc) =	sbr.rel .LBB2_2-.Ltmp5, $4  }
0x11b: {  	[sflag:s14] =	ssyncset.done $0x0  }
0x11c: {  	s10 =	sadd.s32 $0x1, s10;
	s9 =	sadd.s32 $0x3000, s9;
	[sflag:s14] =	ssyncadd.s32 $0xFFFF8000  }
0x11d: {  	[hbm4b:s4+s3] =	stream.linear.scatter [tilespmem:s29], [sflag:$0x2], $0x8000, $0x38;
	[tilespmem:$0x18400] =	vst v63  }
0x11e: {  	s8 =	sadd.s32 $0x3000, s8;
	s31 =	sadd.s32 $0x60, s31;
	s4 =	sadd.s32 $0x3000, s4  }
.LBB2_9:
0x11f: {  	_ =	sfence.sel $0x180000  }
0x120: {  	[bflag:$0x0] =	sbarrier.arrive $0xFFFF  }
0x121: {  	_ =	strace $0x90000047  }
0x122: {  	s0 =	stileid.u32;
	[bflag:$0x2] =	sbarrier.arrive $0xFFFF  }
0x123: {  	p0 =	sne.s32 s0, $0x0;
	s0 =	rddreg [dreg:$0x3]  }
0x124: {  	s0 =	sadd.s32 @!p0 $0x100000, s0  }
0x125: {  	[sflag:s0] =	ssyncadd.tile.s32 @!p0 $0x1;
	_ =	shalt  }
.Lfunc_end2:
_tile_overlayer_lowered:
.L_overlay_start_2:
0x126: {  	(tag) =	ssettag $0x2  }
0x127: {  	s0 =	rddreg [dreg:$0x0];
	s2 =	stileid.u32  }
0x128: {  	s1 =	rddreg [dreg:$0x1];
	p0 =	sne.s32 s2, $0x0  }
0x129: {  	s3 =	rddreg [dreg:$0x2];
	[bflag:$0x3] =	sbarrier.arrive $0xFFFF;
	s2 =	simm.s32 @!p0 $0x1C03  }
0x12a: {  	[timem:s3], [sflag:s2] =	dma.local @!p0 [hbm:s0], s1  }
0x12b: {  	s0 =	simm.s32 @!p0 $0x3  }
0x12c: {  	_ =	swait.ge @!p0 [sflag:s0], s1  }
0x12d: {  	s1 =	ssub.s32 @!p0 $0x0, s1;
	[sflag:s0] =	ssyncset.done @!p0 $0x0  }
0x12e: {  	[sflag:s0] =	ssyncadd.s32 @!p0 s1  }
0x12f: {  	[bflag:$0x3] =	sbarrier.arrive $0xFFFF  }
0x130: {  	_ =	shalt  }

</sc_bundles>
